<compile_context>
chip_gen: v7x
topology: tpu7x:2x2x1
jax: 0.10.2.dev20260603
libtpu: 0.0.44.dev20260713+nightly
codegen_flags: <defaults>
</compile_context>

<pallas_src>
import jax
import jax.numpy as jnp
from jax import lax
from jax.experimental import pallas as pl
from jax.experimental.pallas import tpu as pltpu
from jax.experimental.pallas import tpu_sc as plsc

MEM = 20000
IMG = (3, 32, 32)
FEAT = 3 * 32 * 32
NCLS = 100
PK = 128
BATCH = 4096
KCHUNK = 512
NSUB = 32
WROWS = BATCH // NSUB
XSUB = 32


def _kmap_body(idx_col_ref, idx_row_ref, out_ref):
    own = idx_col_ref[...]
    allv = idx_row_ref[...]
    iota = lax.broadcasted_iota(jnp.int32, (KCHUNK, BATCH), 1)
    sel = jnp.where(own == allv, iota, -1)
    out_ref[...] = jnp.max(sel, axis=1, keepdims=True)


def _make_sc_scatter():
    def body(idx_hbm, kmap_hbm, x_hbm, pkin_hbm, obx_ref, opk_ref,
             iw_vmem, kw_vmem, xw_vmem, pkw_vmem):
        core = lax.axis_index("core")
        sub = lax.axis_index("subcore")
        off = (core * 16 + sub) * WROWS

        pltpu.sync_copy(idx_hbm.at[0, pl.ds(off, WROWS)], iw_vmem)
        pltpu.sync_copy(kmap_hbm.at[0, pl.ds(off, WROWS)], kw_vmem)

        pltpu.sync_copy(pkin_hbm.at[kw_vmem], pkw_vmem)
        pltpu.sync_copy(pkw_vmem, opk_ref.at[iw_vmem])

        for k in range(WROWS // XSUB):
            sl = pl.ds(k * XSUB, XSUB)
            pltpu.sync_copy(x_hbm.at[kw_vmem.at[sl]], xw_vmem)
            pltpu.sync_copy(xw_vmem, obx_ref.at[iw_vmem.at[sl]])

    return pl.kernel(
        body,
        out_type=(),
        mesh=plsc.VectorSubcoreMesh(
            core_axis_name="core", subcore_axis_name="subcore"),
        scratch_types=[
            pltpu.VMEM((WROWS,), jnp.int32),
            pltpu.VMEM((WROWS,), jnp.int32),
            pltpu.VMEM((XSUB, FEAT), jnp.float32),
            pltpu.VMEM((WROWS, PK), jnp.int32),
        ],
    )


def kernel(x, y, logits, t, idx, bx, by, bt, blogits):

    logits_bits = jax.lax.bitcast_convert_type(logits, jnp.int32)
    t_col = jnp.full((BATCH, 1), t, dtype=jnp.int32)
    pad_in = jnp.zeros((BATCH, PK - NCLS - 2), jnp.int32)
    pk_in = jnp.concatenate([logits_bits, y[:, None], t_col, pad_in], axis=1)

    blogits_bits = jax.lax.bitcast_convert_type(blogits, jnp.int32)
    pad_buf = jnp.zeros((MEM, PK - NCLS - 2), jnp.int32)
    pk_buf = jnp.concatenate(
        [blogits_bits, by[:, None], bt[:, None], pad_buf], axis=1)

    kmap = pl.pallas_call(
            _kmap_body,
            grid=(BATCH // KCHUNK,),
            in_specs=[
                pl.BlockSpec((KCHUNK, 1), lambda i: (i, 0)),
                pl.BlockSpec((1, BATCH), lambda i: (0, 0)),
            ],
            out_specs=pl.BlockSpec((KCHUNK, 1), lambda i: (i, 0)),
            out_shape=jax.ShapeDtypeStruct((BATCH, 1), jnp.int32),
        )(idx[:, None], idx[None, :])

    obx_ref = jax.new_ref(bx.reshape(MEM, FEAT))
    opk_ref = jax.new_ref(pk_buf)
    _make_sc_scatter()(idx[None, :], kmap.reshape(1, BATCH),
                       x.reshape(BATCH, FEAT), pk_in, obx_ref, opk_ref)
    bx_new = jax.freeze(obx_ref).reshape((MEM,) + IMG)
    opk = jax.freeze(opk_ref)

    blogits_new = jax.lax.bitcast_convert_type(opk[:, :NCLS], jnp.float32)
    by_new = opk[:, NCLS]
    bt_new = opk[:, NCLS + 1]
    return (bx_new, by_new, bt_new, blogits_new)

# --- scband reference (transcript-rebuilt; emitter-appended) ---
"""Pipeline reference for scband-buffer-36292473651292 (READ-ONLY COPY).

The authoritative reference and input builder live on the scoring server;
editing this copy changes nothing except your own understanding.
"""

import jax, jax.numpy as jnp
import numpy as np

MEM_SIZE = 20000
N_CLASSES = 100
B = 4096
IMG = (3, 32, 32)


def setup_inputs(seed: int = 0) -> dict:
    key = jax.random.key(seed)
    k1, k2, k3, k4 = jax.random.split(key, 4)
    x = jax.random.normal(k1, (B,) + IMG, dtype=jnp.float32)
    y = jax.random.randint(k2, (B,), 0, N_CLASSES, dtype=jnp.int32)
    logits = jax.random.normal(k4, (B, N_CLASSES), dtype=jnp.float32)
    # reservoir slot indices: torch code draws uniform ints in [0, n_seen_so_far)
    # and keeps the ones < buffer_size; here the buffer is full so all draws land in-range
    idx = jax.random.randint(k3, (B,), 0, MEM_SIZE, dtype=jnp.int32)
    # registered buffers (module state), zero-initialized exactly as in __init__
    bx = jnp.zeros((MEM_SIZE,) + IMG, dtype=jnp.float32)
    by = jnp.zeros((MEM_SIZE,), dtype=jnp.int32)
    bt = jnp.zeros((MEM_SIZE,), dtype=jnp.int32)
    blogits = jnp.zeros((MEM_SIZE, N_CLASSES), dtype=jnp.float32)
    return {"x": x, "y": y, "logits": logits, "t": 1, "idx": idx,
            "bx": bx, "by": by, "bt": bt, "blogits": blogits}


def reference(x, y, logits, t, idx, bx, by, bt, blogits):
    # Faithful jax translation of Buffer.add_reservoir reservoir-overwrite path:
    #   self.bx[idx_buffer] = x[idx_new_data]
    #   self.by[idx_buffer] = y[idx_new_data]
    #   self.bt[idx_buffer] = t
    #   self.logits[idx_buffer] = logits[idx_new_data]
    # (buffer full, so all incoming rows are scatter-written by random slot idx)
    bx_new = bx.at[idx].set(x)
    by_new = by.at[idx].set(y)
    bt_new = bt.at[idx].set(jnp.full_like(idx, t))
    blogits_new = blogits.at[idx].set(logits)
    return (bx_new, by_new, bt_new, blogits_new)

if __name__ == "__main__":
    import jax
    _d = setup_inputs()
    print(jax.jit(kernel)(*tuple(_d.values())))

</pallas_src>

<mosaic_0001>
#map = affine_map<(d0, d1) -> (0, 0)>
module attributes {stable_mosaic.version = 14 : i64} {
  func.func @new_body(%arg0: i32, %arg1: i32, %arg2: memref<1x4096xi32, #tpu.memory_space<hbm>>, %arg3: memref<1x4096xi32, #tpu.memory_space<hbm>>, %arg4: memref<4096x3072xf32, #tpu.memory_space<hbm>>, %arg5: memref<4096x128xi32, #tpu.memory_space<hbm>>, %arg6: memref<20000x3072xf32, #tpu.memory_space<hbm>>, %arg7: memref<20000x128xi32, #tpu.memory_space<hbm>>, %arg8: memref<20000x3072xf32, #tpu.memory_space<hbm>>, %arg9: memref<20000x128xi32, #tpu.memory_space<hbm>>, %arg10: memref<128xi32, #tpu.memory_space<vmem>>, %arg11: memref<128xi32, #tpu.memory_space<vmem>>, %arg12: memref<32x3072xf32, #tpu.memory_space<vmem>>, %arg13: memref<128x128xi32, #tpu.memory_space<vmem>>) attributes {dimension_semantics = [#tpu.dimension_semantics<core_parallel>, #tpu.dimension_semantics<subcore_parallel>], iteration_bounds = array<i64: 2, 16>, scalar_prefetch = 0 : i64, scratch_operands = 4 : i64, tpu.core_type = #tpu.core_type<sc_vector_subcore>, window_params = [{transform_indices = #map}, {transform_indices = #map}, {transform_indices = #map}, {transform_indices = #map}, {transform_indices = #map}, {transform_indices = #map}, {transform_indices = #map}, {transform_indices = #map}]} {
    %mul3A = arith.constant 16 : i32
    %mul3A_0 = arith.muli %arg0, %mul3A : i32
    %add3A = arith.addi %mul3A_0, %arg1 : i32
    %mul3A_1 = arith.constant 128 : i32
    %mul3A_2 = arith.muli %add3A, %mul3A_1 : i32
    %run_scoped3A = arith.constant 0 : i32
    "tpu.region"() ({
      %run_scoped3A_4 = tpu.sem_alloc : memref<!tpu.dma_semaphore, #tpu.memory_space<semaphore_mem>>
      %dma_start3A = tpu.memref_slice %arg2[%run_scoped3A, %mul3A_2] : memref<1x4096xi32, #tpu.memory_space<hbm>> -> memref<1x128xi32, #tpu.memory_space<hbm>>
      %dma_start3A_5 = tpu.memref_squeeze %dma_start3A : memref<1x128xi32, #tpu.memory_space<hbm>> -> memref<128xi32, #tpu.memory_space<hbm>>
      %dma_start3A_6 = tpu.memref_slice %arg2[%run_scoped3A, %mul3A_2] : memref<1x4096xi32, #tpu.memory_space<hbm>> -> memref<1x128xi32, #tpu.memory_space<hbm>>
      %dma_start3A_7 = tpu.memref_squeeze %dma_start3A_6 : memref<1x128xi32, #tpu.memory_space<hbm>> -> memref<128xi32, #tpu.memory_space<hbm>>
      tpu.enqueue_dma source(%dma_start3A_7 : memref<128xi32, #tpu.memory_space<hbm>>) target(%arg10 : memref<128xi32, #tpu.memory_space<vmem>>) target_semaphore(%run_scoped3A_4 : memref<!tpu.dma_semaphore, #tpu.memory_space<semaphore_mem>>)
      %dma_wait3A = tpu.memref_slice %arg2[%run_scoped3A, %mul3A_2] : memref<1x4096xi32, #tpu.memory_space<hbm>> -> memref<1x128xi32, #tpu.memory_space<hbm>>
      %dma_wait3A_8 = tpu.memref_squeeze %dma_wait3A : memref<1x128xi32, #tpu.memory_space<hbm>> -> memref<128xi32, #tpu.memory_space<hbm>>
      %dma_wait3A_9 = tpu.memref_slice %arg2[%run_scoped3A, %mul3A_2] : memref<1x4096xi32, #tpu.memory_space<hbm>> -> memref<1x128xi32, #tpu.memory_space<hbm>>
      %dma_wait3A_10 = tpu.memref_squeeze %dma_wait3A_9 : memref<1x128xi32, #tpu.memory_space<hbm>> -> memref<128xi32, #tpu.memory_space<hbm>>
      tpu.wait_dma2 semaphore(%run_scoped3A_4 : memref<!tpu.dma_semaphore, #tpu.memory_space<semaphore_mem>>) src(%dma_wait3A_10 : memref<128xi32, #tpu.memory_space<hbm>>) dst(%arg10 : memref<128xi32, #tpu.memory_space<vmem>>)
      tpu.yield
    }) : () -> ()
    %run_scoped3A_3 = arith.constant 0 : i32
    "tpu.region"() ({
      %run_scoped3A_4 = tpu.sem_alloc : memref<!tpu.dma_semaphore, #tpu.memory_space<semaphore_mem>>
      %dma_start3A = tpu.memref_slice %arg3[%run_scoped3A_3, %mul3A_2] : memref<1x4096xi32, #tpu.memory_space<hbm>> -> memref<1x128xi32, #tpu.memory_space<hbm>>
      %dma_start3A_5 = tpu.memref_squeeze %dma_start3A : memref<1x128xi32, #tpu.memory_space<hbm>> -> memref<128xi32, #tpu.memory_space<hbm>>
      %dma_start3A_6 = tpu.memref_slice %arg3[%run_scoped3A_3, %mul3A_2] : memref<1x4096xi32, #tpu.memory_space<hbm>> -> memref<1x128xi32, #tpu.memory_space<hbm>>
      %dma_start3A_7 = tpu.memref_squeeze %dma_start3A_6 : memref<1x128xi32, #tpu.memory_space<hbm>> -> memref<128xi32, #tpu.memory_space<hbm>>
      tpu.enqueue_dma source(%dma_start3A_7 : memref<128xi32, #tpu.memory_space<hbm>>) target(%arg11 : memref<128xi32, #tpu.memory_space<vmem>>) target_semaphore(%run_scoped3A_4 : memref<!tpu.dma_semaphore, #tpu.memory_space<semaphore_mem>>)
      %dma_wait3A = tpu.memref_slice %arg3[%run_scoped3A_3, %mul3A_2] : memref<1x4096xi32, #tpu.memory_space<hbm>> -> memref<1x128xi32, #tpu.memory_space<hbm>>
      %dma_wait3A_8 = tpu.memref_squeeze %dma_wait3A : memref<1x128xi32, #tpu.memory_space<hbm>> -> memref<128xi32, #tpu.memory_space<hbm>>
      %dma_wait3A_9 = tpu.memref_slice %arg3[%run_scoped3A_3, %mul3A_2] : memref<1x4096xi32, #tpu.memory_space<hbm>> -> memref<1x128xi32, #tpu.memory_space<hbm>>
      %dma_wait3A_10 = tpu.memref_squeeze %dma_wait3A_9 : memref<1x128xi32, #tpu.memory_space<hbm>> -> memref<128xi32, #tpu.memory_space<hbm>>
      tpu.wait_dma2 semaphore(%run_scoped3A_4 : memref<!tpu.dma_semaphore, #tpu.memory_space<semaphore_mem>>) src(%dma_wait3A_10 : memref<128xi32, #tpu.memory_space<hbm>>) dst(%arg11 : memref<128xi32, #tpu.memory_space<vmem>>)
      tpu.yield
    }) : () -> ()
    "tpu.region"() ({
      %run_scoped3A_4 = tpu.sem_alloc : memref<!tpu.dma_semaphore, #tpu.memory_space<semaphore_mem>>
      %dma_start3A = arith.constant 0 : i32
      %dma_start3A_5 = arith.constant 0 : i32
      %dma_start3A_6 = tpu.memref_slice %arg5[%dma_start3A, %dma_start3A_5] : memref<4096x128xi32, #tpu.memory_space<hbm>> -> memref<4096x128xi32, #tpu.memory_space<hbm>>
      tpu.enqueue_indirect_dma source(%dma_start3A_6 : memref<4096x128xi32, #tpu.memory_space<hbm>>) target(%arg13 : memref<128x128xi32, #tpu.memory_space<vmem>>) offsets(%arg11 : memref<128xi32, #tpu.memory_space<vmem>>) semaphore(%run_scoped3A_4 : memref<!tpu.dma_semaphore, #tpu.memory_space<semaphore_mem>>)
      %dma_wait3A = arith.constant 0 : i32
      %dma_wait3A_7 = arith.constant 0 : i32
      %dma_wait3A_8 = tpu.memref_slice %arg5[%dma_wait3A, %dma_wait3A_7] : memref<4096x128xi32, #tpu.memory_space<hbm>> -> memref<4096x128xi32, #tpu.memory_space<hbm>>
      tpu.wait_indirect_dma semaphore(%run_scoped3A_4 : memref<!tpu.dma_semaphore, #tpu.memory_space<semaphore_mem>>) src(%dma_wait3A_8 : memref<4096x128xi32, #tpu.memory_space<hbm>>) dst(%arg13 : memref<128x128xi32, #tpu.memory_space<vmem>>)
      tpu.yield
    }) : () -> ()
    "tpu.region"() ({
      %run_scoped3A_4 = tpu.sem_alloc : memref<!tpu.dma_semaphore, #tpu.memory_space<semaphore_mem>>
      %dma_start3A = arith.constant 0 : i32
      %dma_start3A_5 = arith.constant 0 : i32
      %dma_start3A_6 = tpu.memref_slice %arg7[%dma_start3A, %dma_start3A_5] : memref<20000x128xi32, #tpu.memory_space<hbm>> -> memref<20000x128xi32, #tpu.memory_space<hbm>>
      tpu.enqueue_indirect_dma source(%arg13 : memref<128x128xi32, #tpu.memory_space<vmem>>) target(%dma_start3A_6 : memref<20000x128xi32, #tpu.memory_space<hbm>>) offsets(%arg10 : memref<128xi32, #tpu.memory_space<vmem>>) semaphore(%run_scoped3A_4 : memref<!tpu.dma_semaphore, #tpu.memory_space<semaphore_mem>>)
      %dma_wait3A = arith.constant 0 : i32
      %dma_wait3A_7 = arith.constant 0 : i32
      %dma_wait3A_8 = tpu.memref_slice %arg7[%dma_wait3A, %dma_wait3A_7] : memref<20000x128xi32, #tpu.memory_space<hbm>> -> memref<20000x128xi32, #tpu.memory_space<hbm>>
      tpu.wait_indirect_dma semaphore(%run_scoped3A_4 : memref<!tpu.dma_semaphore, #tpu.memory_space<semaphore_mem>>) src(%arg13 : memref<128x128xi32, #tpu.memory_space<vmem>>) dst(%dma_wait3A_8 : memref<20000x128xi32, #tpu.memory_space<hbm>>)
      tpu.yield
    }) : () -> ()
    "tpu.region"() ({
      %run_scoped3A_4 = tpu.sem_alloc : memref<!tpu.dma_semaphore, #tpu.memory_space<semaphore_mem>>
      %dma_start3A = arith.constant 0 : i32
      %dma_start3A_5 = tpu.memref_slice %arg11[%dma_start3A] : memref<128xi32, #tpu.memory_space<vmem>> -> memref<32xi32, #tpu.memory_space<vmem>>
      %dma_start3A_6 = arith.constant 0 : i32
      %dma_start3A_7 = arith.constant 0 : i32
      %dma_start3A_8 = tpu.memref_slice %arg4[%dma_start3A_6, %dma_start3A_7] : memref<4096x3072xf32, #tpu.memory_space<hbm>> -> memref<4096x3072xf32, #tpu.memory_space<hbm>>
      tpu.enqueue_indirect_dma source(%dma_start3A_8 : memref<4096x3072xf32, #tpu.memory_space<hbm>>) target(%arg12 : memref<32x3072xf32, #tpu.memory_space<vmem>>) offsets(%dma_start3A_5 : memref<32xi32, #tpu.memory_space<vmem>>) semaphore(%run_scoped3A_4 : memref<!tpu.dma_semaphore, #tpu.memory_space<semaphore_mem>>)
      %dma_wait3A = arith.constant 0 : i32
      %dma_wait3A_9 = tpu.memref_slice %arg11[%dma_wait3A] : memref<128xi32, #tpu.memory_space<vmem>> -> memref<32xi32, #tpu.memory_space<vmem>>
      %dma_wait3A_10 = arith.constant 0 : i32
      %dma_wait3A_11 = arith.constant 0 : i32
      %dma_wait3A_12 = tpu.memref_slice %arg4[%dma_wait3A_10, %dma_wait3A_11] : memref<4096x3072xf32, #tpu.memory_space<hbm>> -> memref<4096x3072xf32, #tpu.memory_space<hbm>>
      tpu.wait_indirect_dma semaphore(%run_scoped3A_4 : memref<!tpu.dma_semaphore, #tpu.memory_space<semaphore_mem>>) src(%dma_wait3A_12 : memref<4096x3072xf32, #tpu.memory_space<hbm>>) dst(%arg12 : memref<32x3072xf32, #tpu.memory_space<vmem>>)
      tpu.yield
    }) : () -> ()
    "tpu.region"() ({
      %run_scoped3A_4 = tpu.sem_alloc : memref<!tpu.dma_semaphore, #tpu.memory_space<semaphore_mem>>
      %dma_start3A = arith.constant 0 : i32
      %dma_start3A_5 = tpu.memref_slice %arg10[%dma_start3A] : memref<128xi32, #tpu.memory_space<vmem>> -> memref<32xi32, #tpu.memory_space<vmem>>
      %dma_start3A_6 = arith.constant 0 : i32
      %dma_start3A_7 = arith.constant 0 : i32
      %dma_start3A_8 = tpu.memref_slice %arg6[%dma_start3A_6, %dma_start3A_7] : memref<20000x3072xf32, #tpu.memory_space<hbm>> -> memref<20000x3072xf32, #tpu.memory_space<hbm>>
      tpu.enqueue_indirect_dma source(%arg12 : memref<32x3072xf32, #tpu.memory_space<vmem>>) target(%dma_start3A_8 : memref<20000x3072xf32, #tpu.memory_space<hbm>>) offsets(%dma_start3A_5 : memref<32xi32, #tpu.memory_space<vmem>>) semaphore(%run_scoped3A_4 : memref<!tpu.dma_semaphore, #tpu.memory_space<semaphore_mem>>)
      %dma_wait3A = arith.constant 0 : i32
      %dma_wait3A_9 = tpu.memref_slice %arg10[%dma_wait3A] : memref<128xi32, #tpu.memory_space<vmem>> -> memref<32xi32, #tpu.memory_space<vmem>>
      %dma_wait3A_10 = arith.constant 0 : i32
      %dma_wait3A_11 = arith.constant 0 : i32
      %dma_wait3A_12 = tpu.memref_slice %arg6[%dma_wait3A_10, %dma_wait3A_11] : memref<20000x3072xf32, #tpu.memory_space<hbm>> -> memref<20000x3072xf32, #tpu.memory_space<hbm>>
      tpu.wait_indirect_dma semaphore(%run_scoped3A_4 : memref<!tpu.dma_semaphore, #tpu.memory_space<semaphore_mem>>) src(%arg12 : memref<32x3072xf32, #tpu.memory_space<vmem>>) dst(%dma_wait3A_12 : memref<20000x3072xf32, #tpu.memory_space<hbm>>)
      tpu.yield
    }) : () -> ()
    "tpu.region"() ({
      %run_scoped3A_4 = tpu.sem_alloc : memref<!tpu.dma_semaphore, #tpu.memory_space<semaphore_mem>>
      %dma_start3A = arith.constant 32 : i32
      %dma_start3A_5 = tpu.memref_slice %arg11[%dma_start3A] : memref<128xi32, #tpu.memory_space<vmem>> -> memref<32xi32, #tpu.memory_space<vmem>>
      %dma_start3A_6 = arith.constant 0 : i32
      %dma_start3A_7 = arith.constant 0 : i32
      %dma_start3A_8 = tpu.memref_slice %arg4[%dma_start3A_6, %dma_start3A_7] : memref<4096x3072xf32, #tpu.memory_space<hbm>> -> memref<4096x3072xf32, #tpu.memory_space<hbm>>
      tpu.enqueue_indirect_dma source(%dma_start3A_8 : memref<4096x3072xf32, #tpu.memory_space<hbm>>) target(%arg12 : memref<32x3072xf32, #tpu.memory_space<vmem>>) offsets(%dma_start3A_5 : memref<32xi32, #tpu.memory_space<vmem>>) semaphore(%run_scoped3A_4 : memref<!tpu.dma_semaphore, #tpu.memory_space<semaphore_mem>>)
      %dma_wait3A = arith.constant 32 : i32
      %dma_wait3A_9 = tpu.memref_slice %arg11[%dma_wait3A] : memref<128xi32, #tpu.memory_space<vmem>> -> memref<32xi32, #tpu.memory_space<vmem>>
      %dma_wait3A_10 = arith.constant 0 : i32
      %dma_wait3A_11 = arith.constant 0 : i32
      %dma_wait3A_12 = tpu.memref_slice %arg4[%dma_wait3A_10, %dma_wait3A_11] : memref<4096x3072xf32, #tpu.memory_space<hbm>> -> memref<4096x3072xf32, #tpu.memory_space<hbm>>
      tpu.wait_indirect_dma semaphore(%run_scoped3A_4 : memref<!tpu.dma_semaphore, #tpu.memory_space<semaphore_mem>>) src(%dma_wait3A_12 : memref<4096x3072xf32, #tpu.memory_space<hbm>>) dst(%arg12 : memref<32x3072xf32, #tpu.memory_space<vmem>>)
      tpu.yield
    }) : () -> ()
    "tpu.region"() ({
      %run_scoped3A_4 = tpu.sem_alloc : memref<!tpu.dma_semaphore, #tpu.memory_space<semaphore_mem>>
      %dma_start3A = arith.constant 32 : i32
      %dma_start3A_5 = tpu.memref_slice %arg10[%dma_start3A] : memref<128xi32, #tpu.memory_space<vmem>> -> memref<32xi32, #tpu.memory_space<vmem>>
      %dma_start3A_6 = arith.constant 0 : i32
      %dma_start3A_7 = arith.constant 0 : i32
      %dma_start3A_8 = tpu.memref_slice %arg6[%dma_start3A_6, %dma_start3A_7] : memref<20000x3072xf32, #tpu.memory_space<hbm>> -> memref<20000x3072xf32, #tpu.memory_space<hbm>>
      tpu.enqueue_indirect_dma source(%arg12 : memref<32x3072xf32, #tpu.memory_space<vmem>>) target(%dma_start3A_8 : memref<20000x3072xf32, #tpu.memory_space<hbm>>) offsets(%dma_start3A_5 : memref<32xi32, #tpu.memory_space<vmem>>) semaphore(%run_scoped3A_4 : memref<!tpu.dma_semaphore, #tpu.memory_space<semaphore_mem>>)
      %dma_wait3A = arith.constant 32 : i32
      %dma_wait3A_9 = tpu.memref_slice %arg10[%dma_wait3A] : memref<128xi32, #tpu.memory_space<vmem>> -> memref<32xi32, #tpu.memory_space<vmem>>
      %dma_wait3A_10 = arith.constant 0 : i32
      %dma_wait3A_11 = arith.constant 0 : i32
      %dma_wait3A_12 = tpu.memref_slice %arg6[%dma_wait3A_10, %dma_wait3A_11] : memref<20000x3072xf32, #tpu.memory_space<hbm>> -> memref<20000x3072xf32, #tpu.memory_space<hbm>>
      tpu.wait_indirect_dma semaphore(%run_scoped3A_4 : memref<!tpu.dma_semaphore, #tpu.memory_space<semaphore_mem>>) src(%arg12 : memref<32x3072xf32, #tpu.memory_space<vmem>>) dst(%dma_wait3A_12 : memref<20000x3072xf32, #tpu.memory_space<hbm>>)
      tpu.yield
    }) : () -> ()
    "tpu.region"() ({
      %run_scoped3A_4 = tpu.sem_alloc : memref<!tpu.dma_semaphore, #tpu.memory_space<semaphore_mem>>
      %dma_start3A = arith.constant 64 : i32
      %dma_start3A_5 = tpu.memref_slice %arg11[%dma_start3A] : memref<128xi32, #tpu.memory_space<vmem>> -> memref<32xi32, #tpu.memory_space<vmem>>
      %dma_start3A_6 = arith.constant 0 : i32
      %dma_start3A_7 = arith.constant 0 : i32
      %dma_start3A_8 = tpu.memref_slice %arg4[%dma_start3A_6, %dma_start3A_7] : memref<4096x3072xf32, #tpu.memory_space<hbm>> -> memref<4096x3072xf32, #tpu.memory_space<hbm>>
      tpu.enqueue_indirect_dma source(%dma_start3A_8 : memref<4096x3072xf32, #tpu.memory_space<hbm>>) target(%arg12 : memref<32x3072xf32, #tpu.memory_space<vmem>>) offsets(%dma_start3A_5 : memref<32xi32, #tpu.memory_space<vmem>>) semaphore(%run_scoped3A_4 : memref<!tpu.dma_semaphore, #tpu.memory_space<semaphore_mem>>)
      %dma_wait3A = arith.constant 64 : i32
      %dma_wait3A_9 = tpu.memref_slice %arg11[%dma_wait3A] : memref<128xi32, #tpu.memory_space<vmem>> -> memref<32xi32, #tpu.memory_space<vmem>>
      %dma_wait3A_10 = arith.constant 0 : i32
      %dma_wait3A_11 = arith.constant 0 : i32
      %dma_wait3A_12 = tpu.memref_slice %arg4[%dma_wait3A_10, %dma_wait3A_11] : memref<4096x3072xf32, #tpu.memory_space<hbm>> -> memref<4096x3072xf32, #tpu.memory_space<hbm>>
      tpu.wait_indirect_dma semaphore(%run_scoped3A_4 : memref<!tpu.dma_semaphore, #tpu.memory_space<semaphore_mem>>) src(%dma_wait3A_12 : memref<4096x3072xf32, #tpu.memory_space<hbm>>) dst(%arg12 : memref<32x3072xf32, #tpu.memory_space<vmem>>)
      tpu.yield
    }) : () -> ()
    "tpu.region"() ({
      %run_scoped3A_4 = tpu.sem_alloc : memref<!tpu.dma_semaphore, #tpu.memory_space<semaphore_mem>>
      %dma_start3A = arith.constant 64 : i32
      %dma_start3A_5 = tpu.memref_slice %arg10[%dma_start3A] : memref<128xi32, #tpu.memory_space<vmem>> -> memref<32xi32, #tpu.memory_space<vmem>>
      %dma_start3A_6 = arith.constant 0 : i32
      %dma_start3A_7 = arith.constant 0 : i32
      %dma_start3A_8 = tpu.memref_slice %arg6[%dma_start3A_6, %dma_start3A_7] : memref<20000x3072xf32, #tpu.memory_space<hbm>> -> memref<20000x3072xf32, #tpu.memory_space<hbm>>
      tpu.enqueue_indirect_dma source(%arg12 : memref<32x3072xf32, #tpu.memory_space<vmem>>) target(%dma_start3A_8 : memref<20000x3072xf32, #tpu.memory_space<hbm>>) offsets(%dma_start3A_5 : memref<32xi32, #tpu.memory_space<vmem>>) semaphore(%run_scoped3A_4 : memref<!tpu.dma_semaphore, #tpu.memory_space<semaphore_mem>>)
      %dma_wait3A = arith.constant 64 : i32
      %dma_wait3A_9 = tpu.memref_slice %arg10[%dma_wait3A] : memref<128xi32, #tpu.memory_space<vmem>> -> memref<32xi32, #tpu.memory_space<vmem>>
      %dma_wait3A_10 = arith.constant 0 : i32
      %dma_wait3A_11 = arith.constant 0 : i32
      %dma_wait3A_12 = tpu.memref_slice %arg6[%dma_wait3A_10, %dma_wait3A_11] : memref<20000x3072xf32, #tpu.memory_space<hbm>> -> memref<20000x3072xf32, #tpu.memory_space<hbm>>
      tpu.wait_indirect_dma semaphore(%run_scoped3A_4 : memref<!tpu.dma_semaphore, #tpu.memory_space<semaphore_mem>>) src(%arg12 : memref<32x3072xf32, #tpu.memory_space<vmem>>) dst(%dma_wait3A_12 : memref<20000x3072xf32, #tpu.memory_space<hbm>>)
      tpu.yield
    }) : () -> ()
    "tpu.region"() ({
      %run_scoped3A_4 = tpu.sem_alloc : memref<!tpu.dma_semaphore, #tpu.memory_space<semaphore_mem>>
      %dma_start3A = arith.constant 96 : i32
      %dma_start3A_5 = tpu.memref_slice %arg11[%dma_start3A] : memref<128xi32, #tpu.memory_space<vmem>> -> memref<32xi32, #tpu.memory_space<vmem>>
      %dma_start3A_6 = arith.constant 0 : i32
      %dma_start3A_7 = arith.constant 0 : i32
      %dma_start3A_8 = tpu.memref_slice %arg4[%dma_start3A_6, %dma_start3A_7] : memref<4096x3072xf32, #tpu.memory_space<hbm>> -> memref<4096x3072xf32, #tpu.memory_space<hbm>>
      tpu.enqueue_indirect_dma source(%dma_start3A_8 : memref<4096x3072xf32, #tpu.memory_space<hbm>>) target(%arg12 : memref<32x3072xf32, #tpu.memory_space<vmem>>) offsets(%dma_start3A_5 : memref<32xi32, #tpu.memory_space<vmem>>) semaphore(%run_scoped3A_4 : memref<!tpu.dma_semaphore, #tpu.memory_space<semaphore_mem>>)
      %dma_wait3A = arith.constant 96 : i32
      %dma_wait3A_9 = tpu.memref_slice %arg11[%dma_wait3A] : memref<128xi32, #tpu.memory_space<vmem>> -> memref<32xi32, #tpu.memory_space<vmem>>
      %dma_wait3A_10 = arith.constant 0 : i32
      %dma_wait3A_11 = arith.constant 0 : i32
      %dma_wait3A_12 = tpu.memref_slice %arg4[%dma_wait3A_10, %dma_wait3A_11] : memref<4096x3072xf32, #tpu.memory_space<hbm>> -> memref<4096x3072xf32, #tpu.memory_space<hbm>>
      tpu.wait_indirect_dma semaphore(%run_scoped3A_4 : memref<!tpu.dma_semaphore, #tpu.memory_space<semaphore_mem>>) src(%dma_wait3A_12 : memref<4096x3072xf32, #tpu.memory_space<hbm>>) dst(%arg12 : memref<32x3072xf32, #tpu.memory_space<vmem>>)
      tpu.yield
    }) : () -> ()
    "tpu.region"() ({
      %run_scoped3A_4 = tpu.sem_alloc : memref<!tpu.dma_semaphore, #tpu.memory_space<semaphore_mem>>
      %dma_start3A = arith.constant 96 : i32
      %dma_start3A_5 = tpu.memref_slice %arg10[%dma_start3A] : memref<128xi32, #tpu.memory_space<vmem>> -> memref<32xi32, #tpu.memory_space<vmem>>
      %dma_start3A_6 = arith.constant 0 : i32
      %dma_start3A_7 = arith.constant 0 : i32
      %dma_start3A_8 = tpu.memref_slice %arg6[%dma_start3A_6, %dma_start3A_7] : memref<20000x3072xf32, #tpu.memory_space<hbm>> -> memref<20000x3072xf32, #tpu.memory_space<hbm>>
      tpu.enqueue_indirect_dma source(%arg12 : memref<32x3072xf32, #tpu.memory_space<vmem>>) target(%dma_start3A_8 : memref<20000x3072xf32, #tpu.memory_space<hbm>>) offsets(%dma_start3A_5 : memref<32xi32, #tpu.memory_space<vmem>>) semaphore(%run_scoped3A_4 : memref<!tpu.dma_semaphore, #tpu.memory_space<semaphore_mem>>)
      %dma_wait3A = arith.constant 96 : i32
      %dma_wait3A_9 = tpu.memref_slice %arg10[%dma_wait3A] : memref<128xi32, #tpu.memory_space<vmem>> -> memref<32xi32, #tpu.memory_space<vmem>>
      %dma_wait3A_10 = arith.constant 0 : i32
      %dma_wait3A_11 = arith.constant 0 : i32
      %dma_wait3A_12 = tpu.memref_slice %arg6[%dma_wait3A_10, %dma_wait3A_11] : memref<20000x3072xf32, #tpu.memory_space<hbm>> -> memref<20000x3072xf32, #tpu.memory_space<hbm>>
      tpu.wait_indirect_dma semaphore(%run_scoped3A_4 : memref<!tpu.dma_semaphore, #tpu.memory_space<semaphore_mem>>) src(%arg12 : memref<32x3072xf32, #tpu.memory_space<vmem>>) dst(%dma_wait3A_12 : memref<20000x3072xf32, #tpu.memory_space<hbm>>)
      tpu.yield
    }) : () -> ()
    return
  }
}

module attributes {stable_mosaic.version = 14 : i64} {
  func.func @_kmap_body(%arg0: i32, %arg1: memref<512x1xi32, #tpu.memory_space<vmem>>, %arg2: memref<1x4096xi32, #tpu.memory_space<vmem>>, %arg3: memref<512x1xi32, #tpu.memory_space<vmem>>) attributes {dimension_semantics = [#tpu.dimension_semantics<arbitrary>], iteration_bounds = array<i64: 8>, scalar_prefetch = 0 : i64, scratch_operands = 0 : i64, tpu.core_type = #tpu.core_type<tc>, window_params = [{transform_indices = @transform_0, window_bounds = array<i64: 512, 1>}, {pipeline_mode = #tpu.pipeline_mode<synchronous>, transform_indices = @transform_1, window_bounds = array<i64: 1, 4096>}, {transform_indices = @transform_2, window_bounds = array<i64: 512, 1>}]} {
    %get3A = arith.constant 0 : index
    %get3A_0 = arith.constant 0 : index
    %get3A_1 = vector.load %arg1[%get3A, %get3A_0] : memref<512x1xi32, #tpu.memory_space<vmem>>, vector<512x1xi32>
    %get3A_2 = arith.constant 0 : index
    %get3A_3 = arith.constant 0 : index
    %get3A_4 = vector.load %arg2[%get3A_2, %get3A_3] : memref<1x4096xi32, #tpu.memory_space<vmem>>, vector<1x4096xi32>
    %iota3A = tpu.iota {dimensions = array<i32: 1>} : vector<512x4096xi32>
    %eq3A = vector.broadcast %get3A_1 : vector<512x1xi32> to vector<512x4096xi32>
    %eq3A_5 = vector.broadcast %get3A_4 : vector<1x4096xi32> to vector<512x4096xi32>
    %eq3A_6 = arith.cmpi eq, %eq3A, %eq3A_5 : vector<512x4096xi32>
    %jit3A = arith.constant -1 : i32
    %broadcast_in_dim3A = vector.broadcast %jit3A : i32 to vector<512x4096xi32>
    %select_n3A = arith.select %eq3A_6, %iota3A, %broadcast_in_dim3A : vector<512x4096xi1>, vector<512x4096xi32>
    %reduce_max3A = arith.constant dense<-2147483648> : vector<512xi32>
    %reduce_max3A_7 = vector.multi_reduction <maxsi>, %select_n3A, %reduce_max3A [1] : vector<512x4096xi32> to vector<512xi32>
    %broadcast_in_dim3A_8 = vector.shape_cast %reduce_max3A_7 : vector<512xi32> to vector<512x1xi32>
    %swap3A = arith.constant 0 : index
    %swap3A_9 = arith.constant 0 : index
    %swap3A_10 = vector.load %arg3[%swap3A, %swap3A_9] : memref<512x1xi32, #tpu.memory_space<vmem>>, vector<512x1xi32>
    tpu.vector_store %arg3[%swap3A, %swap3A_9], %broadcast_in_dim3A_8 {strides = array<i32>} : memref<512x1xi32, #tpu.memory_space<vmem>>, vector<512x1xi32>,
    return
  }
  func.func @transform_0(%arg0: i32) -> (i32, i32) {
    %c0_i32 = arith.constant 0 : i32
    %c0_i32_0 = arith.constant 0 : i32
    return %arg0, %c0_i32 : i32, i32
  }
  func.func @transform_1(%arg0: i32) -> (i32, i32) {
    %c0_i32 = arith.constant 0 : i32
    %c0_i32_0 = arith.constant 0 : i32
    %c0_i32_1 = arith.constant 0 : i32
    return %c0_i32, %c0_i32_0 : i32, i32
  }
  func.func @transform_2(%arg0: i32) -> (i32, i32) {
    %c0_i32 = arith.constant 0 : i32
    %c0_i32_0 = arith.constant 0 : i32
    return %arg0, %c0_i32 : i32, i32
  }
}

</mosaic_0001>

<sc_bundles>
// kernel: kernel.4.cloned.1.call-start
scs
__scs_entry_jumppad:
0x0: {  	(pc) =	sbr.rel $0x88, $3  }
0x1: {  	(tag) =	ssettag $0x0;
	lr =	simm.s32 $0x1  }
0x2: {  	[smem:$0x3F98] =	sst lr;
	_ =	strace $0xD0000000  }
0x3: {  	_ = 	snop  }
0x4: {  	_ = 	snop  }
0x5: {  	_ = 	snop  }
0x6: {  	_ = 	snop  }
0x7: {  	_ = 	snop  }
__scs_overlays_trampoline_lowered:
0x8: {  	[smem:$0x3FA7] =	sst s0  }
0x9: {  	[smem:$0x3FA8] =	sst s1  }
0xa: {  	[smem:$0x3FA9] =	sst s2  }
0xb: {  	[smem:$0x3FAA] =	sst s3  }
0xc: {  	[smem:$0x3FAB] =	sst s4  }
0xd: {  	[smem:$0x3FAC] =	sst s5  }
0xe: {  	[smem:$0x3FAD] =	sst s6  }
0xf: {  	[smem:$0x3FAE] =	sst s7  }
0x10: {  	[smem:$0x3FAF] =	sst s8  }
0x11: {  	[smem:$0x3FB0] =	sst s9;
	s0 =	simm.s32 @!p0 $0x0  }
0x12: {  	s1 =	sld [smem:$0x3F96];
	s0 =	simm.s32 @p0 $0x1  }
0x13: {  	[smem:$0x3FB1] =	sst s0;
	s0 =	simm.s32 @!p1 $0x0  }
0x14: {  	s2 =	sld [smem:$0x3F95];
	s0 =	simm.s32 @p1 $0x1  }
0x15: {  	[smem:$0x3FB2] =	sst s0;
	s0 =	simm.s32 @!p2 $0x0  }
0x16: {  	s3 =	sld [smem:$0x3FDB];
	s0 =	simm.s32 @p2 $0x1  }
0x17: {  	s4 =	simm.s32 $0x1BF5;
	[smem:$0x3FB4] =	sst s0  }
0x18: {  	s0 =	sld [smem:$0x3F97];
	_ =	swait.ge [sflag:s4], $0x0  }
0x19: {  	s7 =	sld [smem:$0x3F98]  }
0x1a: {  	s8 =	sadd.s32 $0xFFFFE003, lr  }
0x1b: {  	s9 =	sadd.s32 $0xFFFFFEF7, lr;
	s5 =	simm.s32 $0xFFFFFFFF;
	p2 =	slt.u32 s8, $0xFFFFF086  }
0x1c: {  	p1 =	slt.u32 s9, $0xF7A;
	s5 =	simm.s32 @!p2 $0x0  }
0x1d: {  	s5 =	simm.s32 @p1 $0x1;
	p0 =	seq.s32 s7, s2  }
0x1e: {  	s7 =	smul.u32 @!p0 $0xF7A, s2;
	p2 =	seq.s32 @!p0 s5, $0x0  }
0x1f: {  	s9 =	smul.u32 $0xF7A, s1;
	s8 =	simm.s32 @!p0 $0x1BF5;
	p2 =	por !p2, p0  }
0x20: {  	[sflag:s8] =	ssyncset.s32 @!p0 $0xFFFFF086;
	s6 =	sadd.s32 @!p0 s3, s7;
	s7 =	simm.s32 @!p0 $0x108  }
0x21: {  	s3 =	sadd.s32 s3, s9;
	s6 =	sadd.s32 @!p0 $0x88, s6;
	s7 =	simm.s32 @p2 $0x1082  }
0x22: {  	[simem:s7], [sflag:s8] =	dma.local @!p0 [hbm:s6], $0xF7A  }
0x23: {  	s9 =	sor.u32 $0xD0000000, s2;
	s6 =	simm.s32 $0x108;
	_ =	swait.ge @!p0 [sflag:s8], $0x0  }
0x24: {  	s3 =	sadd.s32 $0x88, s3;
	s6 =	simm.s32 @!p1 $0x1082;
	[sflag:s4] =	ssyncset.s32 $0xFFFFF086  }
0x25: {  	[simem:s6], [sflag:s4] =	dma.local [hbm:s3], $0xF7A  }
0x26: {  	[smem:$0x3F98] =	sst s1;
	(tag) =	ssettag s2;
	_ =	strace s9  }
0x27: {  	s1 =	sld [smem:$0x3FA8]  }
0x28: {  	s2 =	sld [smem:$0x3FA9]  }
0x29: {  	s4 =	sld [smem:$0x3FAB]  }
0x2a: {  	p0 =	seq.s32 s5, $0x0;
	s5 =	sld [smem:$0x3FAC]  }
0x2b: {  	s6 =	sld [smem:$0x3FAD]  }
0x2c: {  	s7 =	sld [smem:$0x3FAE]  }
0x2d: {  	s3 =	simm.s32 $0x108;
	s8 =	sld [smem:$0x3FAF]  }
0x2e: {  	s3 =	simm.s32 @!p0 $0x1082;
	s9 =	sld [smem:$0x3FB0]  }
0x2f: {  	lr =	sadd.s32 s0, s3;
	s0 =	sld [smem:$0x3FA7]  }
0x30: {  	s3 =	sld [smem:$0x3FAA]  }
0x31: {  	[smem:$0x3FB3] =	sst s10  }
0x32: {  	s10 =	sld [smem:$0x3FB1];
	_ =	sdelay $0x3  }
0x33: {  	p0 =	seq.s32 s10, $0x1;
	s10 =	sld [smem:$0x3FB3];
	_ =	sdelay $0x3  }
0x34: {  	[smem:$0x3FB3] =	sst s10  }
0x35: {  	s10 =	sld [smem:$0x3FB2];
	_ =	sdelay $0x3  }
0x36: {  	p1 =	seq.s32 s10, $0x1;
	s10 =	sld [smem:$0x3FB3];
	_ =	sdelay $0x3  }
0x37: {  	[smem:$0x3FB3] =	sst s10  }
0x38: {  	s10 =	sld [smem:$0x3FB4]  }
0x39: {  	_ = 	snop;
	(pc) =	sbr.ind lr, $3  }
0x3a: {  	_ = 	snop  }
0x3b: {  	_ = 	snop  }
0x3c: {  	p2 =	seq.s32 s10, $0x1;
	s10 =	sld [smem:$0x3FB3]  }
0x3d: {  	_ =	shalt  }
0x3e: {  	_ =	shalt  }
0x3f: {  	_ =	shalt  }
0x40: {  	_ =	shalt  }
0x41: {  	_ =	shalt  }
0x42: {  	_ =	shalt  }
0x43: {  	_ =	shalt  }
0x44: {  	_ =	shalt  }
0x45: {  	_ =	shalt  }
0x46: {  	_ =	shalt  }
0x47: {  	_ =	shalt  }
0x48: {  	_ =	shalt  }
0x49: {  	_ =	shalt  }
0x4a: {  	_ =	shalt  }
0x4b: {  	_ =	shalt  }
0x4c: {  	_ =	shalt  }
0x4d: {  	_ =	shalt  }
0x4e: {  	_ =	shalt  }
0x4f: {  	_ =	shalt  }
0x50: {  	_ =	shalt  }
0x51: {  	_ =	shalt  }
0x52: {  	_ =	shalt  }
0x53: {  	_ =	shalt  }
0x54: {  	_ =	shalt  }
0x55: {  	_ =	shalt  }
0x56: {  	_ =	shalt  }
0x57: {  	_ =	shalt  }
0x58: {  	_ =	shalt  }
0x59: {  	_ =	shalt  }
0x5a: {  	_ =	shalt  }
0x5b: {  	_ =	shalt  }
0x5c: {  	_ =	shalt  }
0x5d: {  	_ =	shalt  }
0x5e: {  	_ =	shalt  }
0x5f: {  	_ =	shalt  }
0x60: {  	_ =	shalt  }
0x61: {  	_ =	shalt  }
0x62: {  	_ =	shalt  }
0x63: {  	_ =	shalt  }
0x64: {  	_ =	shalt  }
0x65: {  	_ =	shalt  }
0x66: {  	_ =	shalt  }
0x67: {  	_ =	shalt  }
0x68: {  	_ =	shalt  }
0x69: {  	_ =	shalt  }
0x6a: {  	_ =	shalt  }
0x6b: {  	_ =	shalt  }
0x6c: {  	_ =	shalt  }
0x6d: {  	_ =	shalt  }
0x6e: {  	_ =	shalt  }
0x6f: {  	_ =	shalt  }
0x70: {  	_ =	shalt  }
0x71: {  	_ =	shalt  }
0x72: {  	_ =	shalt  }
0x73: {  	_ =	shalt  }
0x74: {  	_ =	shalt  }
0x75: {  	_ =	shalt  }
0x76: {  	_ =	shalt  }
0x77: {  	_ =	shalt  }
0x78: {  	_ =	shalt  }
0x79: {  	_ =	shalt  }
0x7a: {  	_ =	shalt  }
0x7b: {  	_ =	shalt  }
0x7c: {  	_ =	shalt  }
0x7d: {  	_ =	shalt  }
0x7e: {  	_ =	shalt  }
0x7f: {  	_ =	shalt  }
0x80: {  	_ =	shalt  }
0x81: {  	_ =	shalt  }
0x82: {  	_ =	shalt  }
0x83: {  	_ =	shalt  }
0x84: {  	_ =	shalt  }
0x85: {  	_ =	shalt  }
0x86: {  	_ =	shalt  }
0x87: {  	_ =	shalt  }
.Lfunc_end0:
.L_simem_size_0:
called_computation_lowered:
.L_overlay_start_0:
0x88: {  	s2 =	sld [smem:$0x3FD9]  }
0x89: {  	s3 =	sld [smem:$0x3FFE];
	_ =	sdelay $0x1  }
0x8a: {  	s1 =	srdreg.scid  }
0x8b: {  	s0 =	sand.u32 $0x1, s1  }
0x8c: {  	s14 =	sshll.u32 s0, $0xA;
	s2 =	sadd.s32 s3, s2  }
0x8d: {  	s2 =	sadd.s32 s2, s14  }
0x8e: {  	[smem:$0x3FBF] =	sst s2  }
0x8f: {  	_ = 	snop  }
0x90: {  	s2 =	sld [smem:$0x3FD0];
	_ =	sdelay $0x2  }
0x91: {  	s4 =	simm.s32 $0xA;
	s5 =	simm.s32 $0x10;
	s15 =	sld [smem:$0x3FC5]  }
0x92: {  	[smem:s5], [sflag:s4] =	dma.local [hbm:s2], $0x1  }
0x93: {  	_ =	swait.eq [sflag:s4], $0x1  }
0x94: {  	[sflag:s4] =	ssyncset.done $0x0  }
0x95: {  	s16 =	sld [smem:$0x10];
	[sflag:s4] =	ssyncadd.s32 $0xFFFFFFFF  }
0x96: {  	s17 =	sld [smem:$0x11];
	(tm) =	ssettm $0x1  }
0x97: {  	s18 =	sld [smem:$0x3FFB];
	_ =	sdelay $0x3  }
0x98: {  	_ =	strace s18  }
0x99: {  	s5 =	sld [smem:$0x3FFC];
	_ =	sdelay $0x3  }
0x9a: {  	_ =	strace s5  }
0x9b: {  	s5 =	sld [smem:$0x3FFD];
	_ =	sdelay $0x3  }
0x9c: {  	_ =	strace s5  }
0x9d: {  	_ =	strace $0x8FFFFFFF  }
0x9e: {  	s19 =	sld [smem:$0x3FDB];
	_ =	sdelay $0x1  }
0x9f: {  	s6 =	simm.s32 $_scs_section_size  }
0xa0: {  	s7 =	simm.s32 $_size__tile_overlayer_lowered;
	s8 =	simm.s32 $_tile_overlayer_lowered  }
0xa1: {  	s22 =	simm.s32 $0x1BFF;
	s21 =	sshll.u32 s8, $0x1;
	s5 =	sadd.s32 s6, s19  }
0xa2: {  	s9 =	simm.s32 $0x0;
	s20 =	sshll.u32 s7, $0x1;
	s7 =	sadd.s32 s21, s5  }
0xa3: {  	[timem:s9], [sflag:s22] =	dma.local [hbm:s7], s20  }
0xa4: {  	_ =	swait.ge [sflag:s22], s20  }
0xa5: {  	s6 =	ssub.s32 $0x0, s20;
	[sflag:s22] =	ssyncset.done $0x0  }
0xa6: {  	[sflag:s22] =	ssyncadd.s32 s6;
	_ =	sdelay $0x1  }
0xa7: {  	s23 =	simm.s32 $0x1B8B  }
0xa8: {  	_ =	swait.ge [sflag:s23], $0x1  }
0xa9: {  	[sflag:s23] =	ssyncset.done $0x0  }
0xaa: {  	s25 =	simm.s32 $0x1B8E;
	s24 =	sld [smem:$0x3FFE];
	[sflag:s23] =	ssyncadd.s32 $0xFFFFFFFF  }
0xab: {  	s26 =	simm.s32 $execute0_lowered;
	[smem:$0x3FD2] =	sst s25  }
0xac: {  	s7 =	sshll.u32 s26, $0x1;
	_ =	strace $0x80000046;
	[dreg:$0x1] =	wrdreg $0xFFFFFFFF  }
0xad: {  	s28 =	simm.s32 $_size_execute0_lowered;
	s5 =	sadd.s32 s5, s7;
	[dreg:$0x0] =	wrdreg $0x0  }
0xae: {  	s7 =	sshll.u32 s28, $0x1;
	[dreg:$0x2] =	wrdreg s5  }
0xaf: {  	[dreg:$0x3] =	wrdreg s7  }
0xb0: {  	[dreg:$0x4] =	wrdreg $0xC0  }
0xb1: {  	_ =	task [dreg:s9], $0x5FFFF  }
0xb2: {  	[dreg:$0x1] =	wrdreg $0xFFFFFFFF  }
0xb3: {  	[dreg:$0x0] =	wrdreg $0x60  }
0xb4: {  	[dreg:$0x2] =	wrdreg s15  }
0xb5: {  	[dreg:$0x3] =	wrdreg s17  }
0xb6: {  	[dreg:$0x4] =	wrdreg s16  }
0xb7: {  	[dreg:$0x5] =	wrdreg s24  }
0xb8: {  	[dreg:$0x6] =	wrdreg $0x9  }
0xb9: {  	_ =	task.clear_ibuf [dreg:s9], $0x7FFFF;
	_ =	strace $0x90000046  }
0xba: {  	s29 =	simm.s32 $0x9;
	_ =	strace $0x80000048  }
0xbb: {  	_ =	swait.ge [sflag:s29], $0x1  }
0xbc: {  	[sflag:s29] =	ssyncadd.s32 $0xFFFFFFFF  }
0xbd: {  	_ =	strace $0x90000048  }
0xbe: {  	_ =	sfence  }
0xbf: {  	s30 =	sld [smem:$0x0];
	_ =	sdelay $0x2  }
0xc0: {  	s31 =	sshll.u32 s1, $0xD;
	s1 =	sshrl.u32 s1, $0x2  }
0xc1: {  	s3 =	sand.u32 $0x4000, s31;
	s1 =	sadd.s32 s1, s30  }
0xc2: {  	s0 =	sor.u32 s3, s0;
	s1 =	sshll.u32 s1, $0x11  }
0xc3: {  	s0 =	sor.u32 s1, s0  }
0xc4: {  	s0 =	sadd.s32 $0x8F2B, s0  }
0xc5: {  	[sflag:s0] =	ssyncadd.remote.s32 $0x1  }
0xc6: {  	_ =	sfence.sel $0xFFFF  }
0xc7: {  	[dreg:$0x0] =	wrdreg $0xFFFFFFFF;
	(pc) =	sbr.abs _section_cstart, $3  }
0xc8: {  	[dreg:$0x1] =	wrdreg $0xFFFFFFFF  }
0xc9: {  	_ =	task.clear_ibuf [dreg:s9], $0x2FFFF;
	_ =	strace $0x9FFFFFFF  }
0xca: {  	(tm) =	ssettm $0x7FFFFFFF  }
0xcb: {  	_ =	shalt  }
tec
execute0_lowered:
.L_overlay_start_1:
0x0: {  	(tag) =	ssettag $0x1  }
0x1: {  	s0 =	rddreg [dreg:$0x0]  }
0x2: {  	s3 =	rddreg [dreg:$0x1]  }
0x3: {  	s1 =	rddreg [dreg:$0x2]  }
0x4: {  	s24 =	rddreg [dreg:$0x3]  }
0x5: {  	s2 =	simm.s32 $0x0;
	s5 =	srdreg.scid;
	s7 =	stileid.u32  }
0x6: {  	s29 =	simm.s32 $0x1;
	[smem:$0x7FF] =	sst s2;
	s4 =	sadd.s32 $0x1600, s24  }
0x7: {  	s5 =	sand.u32 $0x1, s5;
	s7 =	sshll.u32 s7, $0x4;
	s8 =	sadd.s32 $0x11600, s24  }
0x8: {  	s9 =	sadd.s32 $0x500, s1;
	s10 =	sadd.s32 $0x600, s1;
	s11 =	sadd.s32 $0x700, s1  }
0x9: {  	s12 =	sadd.s32 $0x800, s1;
	s13 =	sadd.s32 $0x900, s1;
	s14 =	sadd.s32 $0xFBF00, s24  }
0xa: {  	s15 =	sadd.s32 $0xFC000, s24;
	s16 =	sadd.s32 $0xFC100, s24;
	s17 =	sadd.s32 $0xFC200, s24  }
0xb: {  	s18 =	sadd.s32 $0xFC300, s24;
	s19 =	sadd.s32 $0xFC400, s24;
	s20 =	sadd.s32 $0xFC500, s24  }
0xc: {  	s21 =	sadd.s32 $0xFC600, s24;
	s22 =	sadd.s32 $0xFC700, s24;
	s23 =	sadd.s32 $0xFC800, s24  }
0xd: {  	s26 =	sadd.s32 $0xA00, s1;
	s28 =	sadd.s32 $0xB00, s1;
	_ =	strace $0x80000047  }
0xe: {  	[dreg:$0x5] =	wrdreg s4;
	s4 =	sadd.s32 $0xFBE00, s24;
	s6 =	sshll.u32 s5, $0x8  }
0xf: {  	s5 =	ssub.s32 $0x2, s5;
	[dreg:$0x6] =	wrdreg s8;
	s8 =	sadd.s32 $0x400, s1  }
0x10: {  	s24 =	sadd.s32 $0xFC900, s24;
	s6 =	sor.u32 s7, s6;
	s30 =	sshrl.u32 s5, $0x1  }
0x11: {  	v2 =	vlaneseq.u32;
	s7 =	sadd.s32 $0x300, s1;
	s0 =	sadd.s32 s0, s6;
	s25 =	ssub.s32 s5, s30  }
0x12: {  	vm0 =	vmmov $0xffff;
	v1 =	vshrl.u32 v2, $0x3;
	s31 =	sadd.s32 s3, s6;
	s5 =	sadd.s32 $0x100, s1;
	[dreg:$0x7] =	wrdreg s0  }
0x13: {  	v0 =	vand.u32 $0x7, v2;
	v2 =	vor.u32 $0x8, v2;
	v1 =	vmul.u32 $0x8, v1;
	s6 =	sadd.s32 $0x200, s1;
	[dreg:$0x8] =	wrdreg s31;
	s0 =	smax.u32 s25, $0x1  }
.LBB2_1:
0x14: {  	[dreg:$0x9] =	wrdreg s0  }
0x15: {  	s3 =	rddreg [dreg:$0x7]  }
0x16: {  	[tilespmem:s2], [sflag:$0x1] =	stream.linear.gather [hbm4b:s3+s2], $0x80, $0x38;
	[tilespmem:$0x1C100] =	vst v63  }
0x17: {  	_ =	swait.ge [sflag:s29], $0x80  }
0x18: {  	[sflag:s29] =	ssyncset.done $0x0  }
0x19: {  	s3 =	simm.s32 $0x80;
	s25 =	rddreg [dreg:$0x8];
	[sflag:s29] =	ssyncadd.s32 $0xFFFFFF80  }
0x1a: {  	[tilespmem:s3], [sflag:$0x1] =	stream.linear.gather [hbm4b:s25+s2], $0x80, $0x38;
	[tilespmem:$0x1C100] =	vst v63  }
0x1b: {  	_ =	swait.ge [sflag:s29], $0x80  }
0x1c: {  	[sflag:s29] =	ssyncset.done $0x0  }
0x1d: {  	s31 =	simm.s32 $0x18100;
	s30 =	rddreg [dreg:$0x5];
	[sflag:s29] =	ssyncadd.s32 $0xFFFFFF80  }
0x1e: {  	[tilespmem:s31], [sflag:$0x1] =	stream.indirect.gather [hbm4b:s30+s3], $0x80, s3, s3, $0xb8;
	[tilespmem:$0x1C100] =	vst v63  }
0x1f: {  	_ =	swait.ge [sflag:s29], $0x4000  }
0x20: {  	[sflag:s29] =	ssyncset.done $0x0  }
0x21: {  	s1 =	rddreg [dreg:$0x6];
	[sflag:s29] =	ssyncadd.s32 $0xFFFFC000  }
0x22: {  	[hbm4b:s1+s3] =	stream.indirect.scatter [tilespmem:s31], [sflag:$0x1], $0x80, s2, s3, $0xb8;
	[tilespmem:$0x1C100] =	vst v63  }
0x23: {  	_ =	swait.ge [sflag:s29], $0x4000  }
0x24: {  	[sflag:s29] =	ssyncset.done $0x0  }
0x25: {  	[sflag:s29] =	ssyncadd.s32 $0xFFFFC000  }
0x26: {  	v3 =	vld [tilespmem:$0x80];
	_ =	sdelay $0x4  }
0x27: {  	v4 =	vshrl.u32 v3, $0x3  }
0x28: {  	v4 =	vmul.u32 $0xC0, v4  }
0x29: {  	v3 =	vand.u32 $0x7, v3  }
0x2a: {  	v3 =	vor.u32 v3, v4  }
0x2b: {  	v4 =	vperm.xlane v3, v0;
	_ =	sdelay $0x1  }
0x2c: {  	v4 =	vadd.s32 v1, v4;
	_ =	sdelay $0x3  }
0x2d: {  	s25 =	simm.s32 $0x100;
	s1 =	rddreg [dreg:$0x2]  }
0x2e: {  	[tilespmem:s25], [sflag:$0x1] =	stream.indirect_vreg.gather [hbm4b:s1+s2], $0x80, v4, vm0, $0xb8;
	[tilespmem:$0x1C100] =	vst v63  }
0x2f: {  	s30 =	simm.s32 $0x900  }
0x30: {  	[tilespmem:s30], [sflag:$0x1] =	stream.indirect_vreg.gather [hbm4b:s5+s2], $0x80, v4, vm0, $0xb8;
	[tilespmem:$0x1C100] =	vst v63  }
0x31: {  	s31 =	simm.s32 $0x1100  }
0x32: {  	[tilespmem:s31], [sflag:$0x1] =	stream.indirect_vreg.gather [hbm4b:s6+s2], $0x80, v4, vm0, $0xb8;
	[tilespmem:$0x1C100] =	vst v63  }
0x33: {  	s3 =	simm.s32 $0x1900  }
0x34: {  	[tilespmem:s3], [sflag:$0x1] =	stream.indirect_vreg.gather [hbm4b:s7+s2], $0x80, v4, vm0, $0xb8;
	[tilespmem:$0x1C100] =	vst v63  }
0x35: {  	s25 =	simm.s32 $0x2100  }
0x36: {  	[tilespmem:s25], [sflag:$0x1] =	stream.indirect_vreg.gather [hbm4b:s8+s2], $0x80, v4, vm0, $0xb8;
	[tilespmem:$0x1C100] =	vst v63  }
0x37: {  	s30 =	simm.s32 $0x2900  }
0x38: {  	[tilespmem:s30], [sflag:$0x1] =	stream.indirect_vreg.gather [hbm4b:s9+s2], $0x80, v4, vm0, $0xb8;
	[tilespmem:$0x1C100] =	vst v63  }
0x39: {  	s31 =	simm.s32 $0x3100  }
0x3a: {  	[tilespmem:s31], [sflag:$0x1] =	stream.indirect_vreg.gather [hbm4b:s10+s2], $0x80, v4, vm0, $0xb8;
	[tilespmem:$0x1C100] =	vst v63  }
0x3b: {  	s3 =	simm.s32 $0x3900  }
0x3c: {  	[tilespmem:s3], [sflag:$0x1] =	stream.indirect_vreg.gather [hbm4b:s11+s2], $0x80, v4, vm0, $0xb8;
	[tilespmem:$0x1C100] =	vst v63  }
0x3d: {  	s30 =	simm.s32 $0x4100  }
0x3e: {  	[tilespmem:s30], [sflag:$0x1] =	stream.indirect_vreg.gather [hbm4b:s12+s2], $0x80, v4, vm0, $0xb8;
	[tilespmem:$0x1C100] =	vst v63  }
0x3f: {  	v3 =	vperm.xlane v3, v2;
	s31 =	simm.s32 $0x4900  }
0x40: {  	[tilespmem:s31], [sflag:$0x1] =	stream.indirect_vreg.gather [hbm4b:s13+s2], $0x80, v4, vm0, $0xb8;
	[tilespmem:$0x1C100] =	vst v63  }
0x41: {  	v3 =	vadd.s32 v1, v3;
	s3 =	simm.s32 $0x5100  }
0x42: {  	[tilespmem:s3], [sflag:$0x1] =	stream.indirect_vreg.gather [hbm4b:s26+s2], $0x80, v4, vm0, $0xb8;
	[tilespmem:$0x1C100] =	vst v63  }
0x43: {  	s31 =	simm.s32 $0x5900  }
0x44: {  	[tilespmem:s31], [sflag:$0x1] =	stream.indirect_vreg.gather [hbm4b:s28+s2], $0x80, v4, vm0, $0xb8;
	[tilespmem:$0x1C100] =	vst v63  }
0x45: {  	s3 =	simm.s32 $0x6100  }
0x46: {  	[tilespmem:s3], [sflag:$0x1] =	stream.indirect_vreg.gather [hbm4b:s1+s2], $0x80, v3, vm0, $0xb8;
	[tilespmem:$0x1C100] =	vst v63  }
0x47: {  	s31 =	simm.s32 $0x6900  }
0x48: {  	[tilespmem:s31], [sflag:$0x1] =	stream.indirect_vreg.gather [hbm4b:s5+s2], $0x80, v3, vm0, $0xb8;
	[tilespmem:$0x1C100] =	vst v63  }
0x49: {  	s3 =	simm.s32 $0x7100  }
0x4a: {  	[tilespmem:s3], [sflag:$0x1] =	stream.indirect_vreg.gather [hbm4b:s6+s2], $0x80, v3, vm0, $0xb8;
	[tilespmem:$0x1C100] =	vst v63  }
0x4b: {  	s31 =	simm.s32 $0x7900  }
0x4c: {  	[tilespmem:s31], [sflag:$0x1] =	stream.indirect_vreg.gather [hbm4b:s7+s2], $0x80, v3, vm0, $0xb8;
	[tilespmem:$0x1C100] =	vst v63  }
0x4d: {  	s3 =	simm.s32 $0x8100  }
0x4e: {  	[tilespmem:s3], [sflag:$0x1] =	stream.indirect_vreg.gather [hbm4b:s8+s2], $0x80, v3, vm0, $0xb8;
	[tilespmem:$0x1C100] =	vst v63  }
0x4f: {  	s31 =	simm.s32 $0x8900  }
0x50: {  	[tilespmem:s31], [sflag:$0x1] =	stream.indirect_vreg.gather [hbm4b:s9+s2], $0x80, v3, vm0, $0xb8;
	[tilespmem:$0x1C100] =	vst v63  }
0x51: {  	s3 =	simm.s32 $0x9100  }
0x52: {  	[tilespmem:s3], [sflag:$0x1] =	stream.indirect_vreg.gather [hbm4b:s10+s2], $0x80, v3, vm0, $0xb8;
	[tilespmem:$0x1C100] =	vst v63  }
0x53: {  	s31 =	simm.s32 $0x9900  }
0x54: {  	[tilespmem:s31], [sflag:$0x1] =	stream.indirect_vreg.gather [hbm4b:s11+s2], $0x80, v3, vm0, $0xb8;
	[tilespmem:$0x1C100] =	vst v63  }
0x55: {  	s3 =	simm.s32 $0xA100  }
0x56: {  	[tilespmem:s3], [sflag:$0x1] =	stream.indirect_vreg.gather [hbm4b:s12+s2], $0x80, v3, vm0, $0xb8;
	[tilespmem:$0x1C100] =	vst v63  }
0x57: {  	s31 =	simm.s32 $0xA900  }
0x58: {  	[tilespmem:s31], [sflag:$0x1] =	stream.indirect_vreg.gather [hbm4b:s13+s2], $0x80, v3, vm0, $0xb8;
	[tilespmem:$0x1C100] =	vst v63  }
0x59: {  	s3 =	simm.s32 $0xB100  }
0x5a: {  	[tilespmem:s3], [sflag:$0x1] =	stream.indirect_vreg.gather [hbm4b:s26+s2], $0x80, v3, vm0, $0xb8;
	[tilespmem:$0x1C100] =	vst v63  }
0x5b: {  	s31 =	simm.s32 $0xB900  }
0x5c: {  	[tilespmem:s31], [sflag:$0x1] =	stream.indirect_vreg.gather [hbm4b:s28+s2], $0x80, v3, vm0, $0xb8;
	[tilespmem:$0x1C100] =	vst v63  }
0x5d: {  	v3 =	vld [tilespmem:$0x90];
	_ =	sdelay $0x4  }
0x5e: {  	v49 =	vshrl.u32 v3, $0x3  }
0x5f: {  	v4 =	vmul.u32 $0xC0, v49  }
0x60: {  	v3 =	vand.u32 $0x7, v3  }
0x61: {  	v3 =	vor.u32 v3, v4  }
0x62: {  	v4 =	vperm.xlane v3, v0;
	_ =	sdelay $0x1  }
0x63: {  	v4 =	vadd.s32 v1, v4;
	_ =	sdelay $0x3  }
0x64: {  	s3 =	simm.s32 $0xC100  }
0x65: {  	[tilespmem:s3], [sflag:$0x1] =	stream.indirect_vreg.gather [hbm4b:s1+s2], $0x80, v4, vm0, $0xb8;
	[tilespmem:$0x1C100] =	vst v63  }
0x66: {  	s31 =	simm.s32 $0xC900  }
0x67: {  	[tilespmem:s31], [sflag:$0x1] =	stream.indirect_vreg.gather [hbm4b:s5+s2], $0x80, v4, vm0, $0xb8;
	[tilespmem:$0x1C100] =	vst v63  }
0x68: {  	s3 =	simm.s32 $0xD100  }
0x69: {  	[tilespmem:s3], [sflag:$0x1] =	stream.indirect_vreg.gather [hbm4b:s6+s2], $0x80, v4, vm0, $0xb8;
	[tilespmem:$0x1C100] =	vst v63  }
0x6a: {  	s31 =	simm.s32 $0xD900  }
0x6b: {  	[tilespmem:s31], [sflag:$0x1] =	stream.indirect_vreg.gather [hbm4b:s7+s2], $0x80, v4, vm0, $0xb8;
	[tilespmem:$0x1C100] =	vst v63  }
0x6c: {  	s3 =	simm.s32 $0xE100  }
0x6d: {  	[tilespmem:s3], [sflag:$0x1] =	stream.indirect_vreg.gather [hbm4b:s8+s2], $0x80, v4, vm0, $0xb8;
	[tilespmem:$0x1C100] =	vst v63  }
0x6e: {  	s31 =	simm.s32 $0xE900  }
0x6f: {  	[tilespmem:s31], [sflag:$0x1] =	stream.indirect_vreg.gather [hbm4b:s9+s2], $0x80, v4, vm0, $0xb8;
	[tilespmem:$0x1C100] =	vst v63  }
0x70: {  	s3 =	simm.s32 $0xF100  }
0x71: {  	[tilespmem:s3], [sflag:$0x1] =	stream.indirect_vreg.gather [hbm4b:s10+s2], $0x80, v4, vm0, $0xb8;
	[tilespmem:$0x1C100] =	vst v63  }
0x72: {  	s31 =	simm.s32 $0xF900  }
0x73: {  	[tilespmem:s31], [sflag:$0x1] =	stream.indirect_vreg.gather [hbm4b:s11+s2], $0x80, v4, vm0, $0xb8;
	[tilespmem:$0x1C100] =	vst v63  }
0x74: {  	s3 =	simm.s32 $0x10100  }
0x75: {  	[tilespmem:s3], [sflag:$0x1] =	stream.indirect_vreg.gather [hbm4b:s12+s2], $0x80, v4, vm0, $0xb8;
	[tilespmem:$0x1C100] =	vst v63  }
0x76: {  	v3 =	vperm.xlane v3, v2;
	s31 =	simm.s32 $0x10900  }
0x77: {  	[tilespmem:s31], [sflag:$0x1] =	stream.indirect_vreg.gather [hbm4b:s13+s2], $0x80, v4, vm0, $0xb8;
	[tilespmem:$0x1C100] =	vst v63  }
0x78: {  	v3 =	vadd.s32 v1, v3;
	s3 =	simm.s32 $0x11100  }
0x79: {  	[tilespmem:s3], [sflag:$0x1] =	stream.indirect_vreg.gather [hbm4b:s26+s2], $0x80, v4, vm0, $0xb8;
	[tilespmem:$0x1C100] =	vst v63  }
0x7a: {  	s31 =	simm.s32 $0x11900  }
0x7b: {  	[tilespmem:s31], [sflag:$0x1] =	stream.indirect_vreg.gather [hbm4b:s28+s2], $0x80, v4, vm0, $0xb8;
	[tilespmem:$0x1C100] =	vst v63  }
0x7c: {  	s3 =	simm.s32 $0x12100  }
0x7d: {  	[tilespmem:s3], [sflag:$0x1] =	stream.indirect_vreg.gather [hbm4b:s1+s2], $0x80, v3, vm0, $0xb8;
	[tilespmem:$0x1C100] =	vst v63  }
0x7e: {  	s31 =	simm.s32 $0x12900  }
0x7f: {  	[tilespmem:s31], [sflag:$0x1] =	stream.indirect_vreg.gather [hbm4b:s5+s2], $0x80, v3, vm0, $0xb8;
	[tilespmem:$0x1C100] =	vst v63  }
0x80: {  	s1 =	simm.s32 $0x13100  }
0x81: {  	[tilespmem:s1], [sflag:$0x1] =	stream.indirect_vreg.gather [hbm4b:s6+s2], $0x80, v3, vm0, $0xb8;
	[tilespmem:$0x1C100] =	vst v63  }
0x82: {  	s3 =	simm.s32 $0x13900  }
0x83: {  	[tilespmem:s3], [sflag:$0x1] =	stream.indirect_vreg.gather [hbm4b:s7+s2], $0x80, v3, vm0, $0xb8;
	[tilespmem:$0x1C100] =	vst v63  }
0x84: {  	s31 =	simm.s32 $0x14100  }
0x85: {  	[tilespmem:s31], [sflag:$0x1] =	stream.indirect_vreg.gather [hbm4b:s8+s2], $0x80, v3, vm0, $0xb8;
	[tilespmem:$0x1C100] =	vst v63  }
0x86: {  	s1 =	simm.s32 $0x14900  }
0x87: {  	[tilespmem:s1], [sflag:$0x1] =	stream.indirect_vreg.gather [hbm4b:s9+s2], $0x80, v3, vm0, $0xb8;
	[tilespmem:$0x1C100] =	vst v63  }
0x88: {  	s3 =	simm.s32 $0x15100  }
0x89: {  	[tilespmem:s3], [sflag:$0x1] =	stream.indirect_vreg.gather [hbm4b:s10+s2], $0x80, v3, vm0, $0xb8;
	[tilespmem:$0x1C100] =	vst v63  }
0x8a: {  	s31 =	simm.s32 $0x15900  }
0x8b: {  	[tilespmem:s31], [sflag:$0x1] =	stream.indirect_vreg.gather [hbm4b:s11+s2], $0x80, v3, vm0, $0xb8;
	[tilespmem:$0x1C100] =	vst v63  }
0x8c: {  	s1 =	simm.s32 $0x16100  }
0x8d: {  	[tilespmem:s1], [sflag:$0x1] =	stream.indirect_vreg.gather [hbm4b:s12+s2], $0x80, v3, vm0, $0xb8;
	[tilespmem:$0x1C100] =	vst v63  }
0x8e: {  	s3 =	simm.s32 $0x16900  }
0x8f: {  	[tilespmem:s3], [sflag:$0x1] =	stream.indirect_vreg.gather [hbm4b:s13+s2], $0x80, v3, vm0, $0xb8;
	[tilespmem:$0x1C100] =	vst v63  }
0x90: {  	s31 =	simm.s32 $0x17100  }
0x91: {  	[tilespmem:s31], [sflag:$0x1] =	stream.indirect_vreg.gather [hbm4b:s26+s2], $0x80, v3, vm0, $0xb8;
	[tilespmem:$0x1C100] =	vst v63  }
0x92: {  	s1 =	simm.s32 $0x17900  }
0x93: {  	[tilespmem:s1], [sflag:$0x1] =	stream.indirect_vreg.gather [hbm4b:s28+s2], $0x80, v3, vm0, $0xb8;
	[tilespmem:$0x1C100] =	vst v63  }
0x94: {  	_ =	swait.ge [sflag:s29], $0x18000  }
0x95: {  	[sflag:s29] =	ssyncset.done $0x0  }
0x96: {  	[sflag:s29] =	ssyncadd.s32 $0xFFFE8000  }
0x97: {  	v3 =	vld [tilespmem:$0x0];
	_ =	sdelay $0x4  }
0x98: {  	v50 =	vshrl.u32 v3, $0x3  }
0x99: {  	v4 =	vmul.u32 $0xC0, v50  }
0x9a: {  	v3 =	vand.u32 $0x7, v3  }
0x9b: {  	v3 =	vor.u32 v3, v4  }
0x9c: {  	v4 =	vperm.xlane v3, v0;
	_ =	sdelay $0x1  }
0x9d: {  	v4 =	vadd.s32 v1, v4;
	_ =	sdelay $0x3  }
0x9e: {  	s3 =	simm.s32 $0x100  }
0x9f: {  	[hbm4b:s4+s2] =	stream.indirect_vreg.scatter [tilespmem:s3], [sflag:$0x1], $0x80, v4, vm0, $0xb8;
	[tilespmem:$0x1C100] =	vst v63  }
0xa0: {  	s0 =	simm.s32 $0x900  }
0xa1: {  	[hbm4b:s14+s2] =	stream.indirect_vreg.scatter [tilespmem:s0], [sflag:$0x1], $0x80, v4, vm0, $0xb8;
	[tilespmem:$0x1C100] =	vst v63  }
0xa2: {  	s1 =	simm.s32 $0x1100  }
0xa3: {  	[hbm4b:s15+s2] =	stream.indirect_vreg.scatter [tilespmem:s1], [sflag:$0x1], $0x80, v4, vm0, $0xb8;
	[tilespmem:$0x1C100] =	vst v63  }
0xa4: {  	s3 =	simm.s32 $0x1900  }
0xa5: {  	[hbm4b:s16+s2] =	stream.indirect_vreg.scatter [tilespmem:s3], [sflag:$0x1], $0x80, v4, vm0, $0xb8;
	[tilespmem:$0x1C100] =	vst v63  }
0xa6: {  	s31 =	simm.s32 $0x2100  }
0xa7: {  	[hbm4b:s17+s2] =	stream.indirect_vreg.scatter [tilespmem:s31], [sflag:$0x1], $0x80, v4, vm0, $0xb8;
	[tilespmem:$0x1C100] =	vst v63  }
0xa8: {  	s25 =	simm.s32 $0x2900  }
0xa9: {  	[hbm4b:s18+s2] =	stream.indirect_vreg.scatter [tilespmem:s25], [sflag:$0x1], $0x80, v4, vm0, $0xb8;
	[tilespmem:$0x1C100] =	vst v63  }
0xaa: {  	s31 =	simm.s32 $0x3100  }
0xab: {  	[hbm4b:s19+s2] =	stream.indirect_vreg.scatter [tilespmem:s31], [sflag:$0x1], $0x80, v4, vm0, $0xb8;
	[tilespmem:$0x1C100] =	vst v63  }
0xac: {  	s31 =	simm.s32 $0x3900  }
0xad: {  	[hbm4b:s20+s2] =	stream.indirect_vreg.scatter [tilespmem:s31], [sflag:$0x1], $0x80, v4, vm0, $0xb8;
	[tilespmem:$0x1C100] =	vst v63  }
0xae: {  	s30 =	simm.s32 $0x4100  }
0xaf: {  	[hbm4b:s21+s2] =	stream.indirect_vreg.scatter [tilespmem:s30], [sflag:$0x1], $0x80, v4, vm0, $0xb8;
	[tilespmem:$0x1C100] =	vst v63  }
0xb0: {  	v3 =	vperm.xlane v3, v2;
	s25 =	simm.s32 $0x4900  }
0xb1: {  	[hbm4b:s22+s2] =	stream.indirect_vreg.scatter [tilespmem:s25], [sflag:$0x1], $0x80, v4, vm0, $0xb8;
	[tilespmem:$0x1C100] =	vst v63  }
0xb2: {  	v3 =	vadd.s32 v1, v3;
	s31 =	simm.s32 $0x5100  }
0xb3: {  	[hbm4b:s23+s2] =	stream.indirect_vreg.scatter [tilespmem:s31], [sflag:$0x1], $0x80, v4, vm0, $0xb8;
	[tilespmem:$0x1C100] =	vst v63  }
0xb4: {  	s30 =	simm.s32 $0x5900  }
0xb5: {  	[hbm4b:s24+s2] =	stream.indirect_vreg.scatter [tilespmem:s30], [sflag:$0x1], $0x80, v4, vm0, $0xb8;
	[tilespmem:$0x1C100] =	vst v63  }
0xb6: {  	s30 =	simm.s32 $0x6100  }
0xb7: {  	[hbm4b:s4+s2] =	stream.indirect_vreg.scatter [tilespmem:s30], [sflag:$0x1], $0x80, v3, vm0, $0xb8;
	[tilespmem:$0x1C100] =	vst v63  }
0xb8: {  	s30 =	simm.s32 $0x6900  }
0xb9: {  	[hbm4b:s14+s2] =	stream.indirect_vreg.scatter [tilespmem:s30], [sflag:$0x1], $0x80, v3, vm0, $0xb8;
	[tilespmem:$0x1C100] =	vst v63  }
0xba: {  	s30 =	simm.s32 $0x7100  }
0xbb: {  	[hbm4b:s15+s2] =	stream.indirect_vreg.scatter [tilespmem:s30], [sflag:$0x1], $0x80, v3, vm0, $0xb8;
	[tilespmem:$0x1C100] =	vst v63  }
0xbc: {  	s30 =	simm.s32 $0x7900  }
0xbd: {  	[hbm4b:s16+s2] =	stream.indirect_vreg.scatter [tilespmem:s30], [sflag:$0x1], $0x80, v3, vm0, $0xb8;
	[tilespmem:$0x1C100] =	vst v63  }
0xbe: {  	s30 =	simm.s32 $0x8100  }
0xbf: {  	[hbm4b:s17+s2] =	stream.indirect_vreg.scatter [tilespmem:s30], [sflag:$0x1], $0x80, v3, vm0, $0xb8;
	[tilespmem:$0x1C100] =	vst v63  }
0xc0: {  	s30 =	simm.s32 $0x8900  }
0xc1: {  	[hbm4b:s18+s2] =	stream.indirect_vreg.scatter [tilespmem:s30], [sflag:$0x1], $0x80, v3, vm0, $0xb8;
	[tilespmem:$0x1C100] =	vst v63  }
0xc2: {  	s30 =	simm.s32 $0x9100  }
0xc3: {  	[hbm4b:s19+s2] =	stream.indirect_vreg.scatter [tilespmem:s30], [sflag:$0x1], $0x80, v3, vm0, $0xb8;
	[tilespmem:$0x1C100] =	vst v63  }
0xc4: {  	s30 =	simm.s32 $0x9900  }
0xc5: {  	[hbm4b:s20+s2] =	stream.indirect_vreg.scatter [tilespmem:s30], [sflag:$0x1], $0x80, v3, vm0, $0xb8;
	[tilespmem:$0x1C100] =	vst v63  }
0xc6: {  	s30 =	simm.s32 $0xA100  }
0xc7: {  	[hbm4b:s21+s2] =	stream.indirect_vreg.scatter [tilespmem:s30], [sflag:$0x1], $0x80, v3, vm0, $0xb8;
	[tilespmem:$0x1C100] =	vst v63  }
0xc8: {  	s30 =	simm.s32 $0xA900  }
0xc9: {  	[hbm4b:s22+s2] =	stream.indirect_vreg.scatter [tilespmem:s30], [sflag:$0x1], $0x80, v3, vm0, $0xb8;
	[tilespmem:$0x1C100] =	vst v63  }
0xca: {  	s30 =	simm.s32 $0xB100  }
0xcb: {  	[hbm4b:s23+s2] =	stream.indirect_vreg.scatter [tilespmem:s30], [sflag:$0x1], $0x80, v3, vm0, $0xb8;
	[tilespmem:$0x1C100] =	vst v63  }
0xcc: {  	s30 =	simm.s32 $0xB900  }
0xcd: {  	[hbm4b:s24+s2] =	stream.indirect_vreg.scatter [tilespmem:s30], [sflag:$0x1], $0x80, v3, vm0, $0xb8;
	[tilespmem:$0x1C100] =	vst v63  }
0xce: {  	v3 =	vld [tilespmem:$0x10];
	_ =	sdelay $0x4  }
0xcf: {  	v51 =	vshrl.u32 v3, $0x3  }
0xd0: {  	v4 =	vmul.u32 $0xC0, v51  }
0xd1: {  	v3 =	vand.u32 $0x7, v3  }
0xd2: {  	v3 =	vor.u32 v3, v4  }
0xd3: {  	v4 =	vperm.xlane v3, v0;
	_ =	sdelay $0x1  }
0xd4: {  	v4 =	vadd.s32 v1, v4;
	_ =	sdelay $0x3  }
0xd5: {  	s30 =	simm.s32 $0xC100  }
0xd6: {  	[hbm4b:s4+s2] =	stream.indirect_vreg.scatter [tilespmem:s30], [sflag:$0x1], $0x80, v4, vm0, $0xb8;
	[tilespmem:$0x1C100] =	vst v63  }
0xd7: {  	s30 =	simm.s32 $0xC900  }
0xd8: {  	[hbm4b:s14+s2] =	stream.indirect_vreg.scatter [tilespmem:s30], [sflag:$0x1], $0x80, v4, vm0, $0xb8;
	[tilespmem:$0x1C100] =	vst v63  }
0xd9: {  	s30 =	simm.s32 $0xD100  }
0xda: {  	[hbm4b:s15+s2] =	stream.indirect_vreg.scatter [tilespmem:s30], [sflag:$0x1], $0x80, v4, vm0, $0xb8;
	[tilespmem:$0x1C100] =	vst v63  }
0xdb: {  	s30 =	simm.s32 $0xD900  }
0xdc: {  	[hbm4b:s16+s2] =	stream.indirect_vreg.scatter [tilespmem:s30], [sflag:$0x1], $0x80, v4, vm0, $0xb8;
	[tilespmem:$0x1C100] =	vst v63  }
0xdd: {  	s30 =	simm.s32 $0xE100  }
0xde: {  	[hbm4b:s17+s2] =	stream.indirect_vreg.scatter [tilespmem:s30], [sflag:$0x1], $0x80, v4, vm0, $0xb8;
	[tilespmem:$0x1C100] =	vst v63  }
0xdf: {  	s30 =	simm.s32 $0xE900  }
0xe0: {  	[hbm4b:s18+s2] =	stream.indirect_vreg.scatter [tilespmem:s30], [sflag:$0x1], $0x80, v4, vm0, $0xb8;
	[tilespmem:$0x1C100] =	vst v63  }
0xe1: {  	s30 =	simm.s32 $0xF100  }
0xe2: {  	[hbm4b:s19+s2] =	stream.indirect_vreg.scatter [tilespmem:s30], [sflag:$0x1], $0x80, v4, vm0, $0xb8;
	[tilespmem:$0x1C100] =	vst v63  }
0xe3: {  	s30 =	simm.s32 $0xF900  }
0xe4: {  	[hbm4b:s20+s2] =	stream.indirect_vreg.scatter [tilespmem:s30], [sflag:$0x1], $0x80, v4, vm0, $0xb8;
	[tilespmem:$0x1C100] =	vst v63  }
0xe5: {  	s30 =	simm.s32 $0x10100  }
0xe6: {  	[hbm4b:s21+s2] =	stream.indirect_vreg.scatter [tilespmem:s30], [sflag:$0x1], $0x80, v4, vm0, $0xb8;
	[tilespmem:$0x1C100] =	vst v63  }
0xe7: {  	v3 =	vperm.xlane v3, v2;
	s30 =	simm.s32 $0x10900  }
0xe8: {  	[hbm4b:s22+s2] =	stream.indirect_vreg.scatter [tilespmem:s30], [sflag:$0x1], $0x80, v4, vm0, $0xb8;
	[tilespmem:$0x1C100] =	vst v63  }
0xe9: {  	v3 =	vadd.s32 v1, v3;
	s30 =	simm.s32 $0x11100  }
0xea: {  	[hbm4b:s23+s2] =	stream.indirect_vreg.scatter [tilespmem:s30], [sflag:$0x1], $0x80, v4, vm0, $0xb8;
	[tilespmem:$0x1C100] =	vst v63  }
0xeb: {  	s30 =	simm.s32 $0x11900  }
0xec: {  	[hbm4b:s24+s2] =	stream.indirect_vreg.scatter [tilespmem:s30], [sflag:$0x1], $0x80, v4, vm0, $0xb8;
	[tilespmem:$0x1C100] =	vst v63  }
0xed: {  	s30 =	simm.s32 $0x12100  }
0xee: {  	[hbm4b:s4+s2] =	stream.indirect_vreg.scatter [tilespmem:s30], [sflag:$0x1], $0x80, v3, vm0, $0xb8;
	[tilespmem:$0x1C100] =	vst v63  }
0xef: {  	s30 =	simm.s32 $0x12900  }
0xf0: {  	[hbm4b:s14+s2] =	stream.indirect_vreg.scatter [tilespmem:s30], [sflag:$0x1], $0x80, v3, vm0, $0xb8;
	[tilespmem:$0x1C100] =	vst v63  }
0xf1: {  	s30 =	simm.s32 $0x13100  }
0xf2: {  	[hbm4b:s15+s2] =	stream.indirect_vreg.scatter [tilespmem:s30], [sflag:$0x1], $0x80, v3, vm0, $0xb8;
	[tilespmem:$0x1C100] =	vst v63  }
0xf3: {  	s30 =	simm.s32 $0x13900  }
0xf4: {  	[hbm4b:s16+s2] =	stream.indirect_vreg.scatter [tilespmem:s30], [sflag:$0x1], $0x80, v3, vm0, $0xb8;
	[tilespmem:$0x1C100] =	vst v63  }
0xf5: {  	s30 =	simm.s32 $0x14100  }
0xf6: {  	[hbm4b:s17+s2] =	stream.indirect_vreg.scatter [tilespmem:s30], [sflag:$0x1], $0x80, v3, vm0, $0xb8;
	[tilespmem:$0x1C100] =	vst v63  }
0xf7: {  	s30 =	simm.s32 $0x14900  }
0xf8: {  	[hbm4b:s18+s2] =	stream.indirect_vreg.scatter [tilespmem:s30], [sflag:$0x1], $0x80, v3, vm0, $0xb8;
	[tilespmem:$0x1C100] =	vst v63  }
0xf9: {  	s30 =	simm.s32 $0x15100  }
0xfa: {  	[hbm4b:s19+s2] =	stream.indirect_vreg.scatter [tilespmem:s30], [sflag:$0x1], $0x80, v3, vm0, $0xb8;
	[tilespmem:$0x1C100] =	vst v63  }
0xfb: {  	s30 =	simm.s32 $0x15900  }
0xfc: {  	[hbm4b:s20+s2] =	stream.indirect_vreg.scatter [tilespmem:s30], [sflag:$0x1], $0x80, v3, vm0, $0xb8;
	[tilespmem:$0x1C100] =	vst v63  }
0xfd: {  	s30 =	simm.s32 $0x16100  }
0xfe: {  	[hbm4b:s21+s2] =	stream.indirect_vreg.scatter [tilespmem:s30], [sflag:$0x1], $0x80, v3, vm0, $0xb8;
	[tilespmem:$0x1C100] =	vst v63  }
0xff: {  	s30 =	simm.s32 $0x16900  }
0x100: {  	[hbm4b:s22+s2] =	stream.indirect_vreg.scatter [tilespmem:s30], [sflag:$0x1], $0x80, v3, vm0, $0xb8;
	[tilespmem:$0x1C100] =	vst v63  }
0x101: {  	s30 =	simm.s32 $0x17100  }
0x102: {  	[hbm4b:s23+s2] =	stream.indirect_vreg.scatter [tilespmem:s30], [sflag:$0x1], $0x80, v3, vm0, $0xb8;
	[tilespmem:$0x1C100] =	vst v63  }
0x103: {  	s31 =	simm.s32 $0x17900  }
0x104: {  	[hbm4b:s24+s2] =	stream.indirect_vreg.scatter [tilespmem:s31], [sflag:$0x1], $0x80, v3, vm0, $0xb8;
	[tilespmem:$0x1C100] =	vst v63  }
0x105: {  	_ =	swait.ge [sflag:s29], $0x18000  }
0x106: {  	[sflag:s29] =	ssyncset.done $0x0  }
0x107: {  	[sflag:s29] =	ssyncadd.s32 $0xFFFE8000  }
0x108: {  	v3 =	vld [tilespmem:$0xA0];
	_ =	sdelay $0x4  }
0x109: {  	v52 =	vshrl.u32 v3, $0x3  }
0x10a: {  	v4 =	vmul.u32 $0xC0, v52  }
0x10b: {  	v3 =	vand.u32 $0x7, v3  }
0x10c: {  	v3 =	vor.u32 v3, v4  }
0x10d: {  	v4 =	vperm.xlane v3, v0;
	_ =	sdelay $0x1  }
0x10e: {  	v4 =	vadd.s32 v1, v4;
	_ =	sdelay $0x3  }
0x10f: {  	s30 =	simm.s32 $0x100;
	s31 =	rddreg [dreg:$0x2]  }
0x110: {  	[tilespmem:s30], [sflag:$0x1] =	stream.indirect_vreg.gather [hbm4b:s31+s2], $0x80, v4, vm0, $0xb8;
	[tilespmem:$0x1C100] =	vst v63  }
0x111: {  	_ = 	snop  }
0x112: {  	[tilespmem:s0], [sflag:$0x1] =	stream.indirect_vreg.gather [hbm4b:s5+s2], $0x80, v4, vm0, $0xb8;
	[tilespmem:$0x1C100] =	vst v63  }
0x113: {  	_ = 	snop  }
0x114: {  	[tilespmem:s1], [sflag:$0x1] =	stream.indirect_vreg.gather [hbm4b:s6+s2], $0x80, v4, vm0, $0xb8;
	[tilespmem:$0x1C100] =	vst v63  }
0x115: {  	_ = 	snop  }
0x116: {  	[tilespmem:s3], [sflag:$0x1] =	stream.indirect_vreg.gather [hbm4b:s7+s2], $0x80, v4, vm0, $0xb8;
	[tilespmem:$0x1C100] =	vst v63  }
0x117: {  	s3 =	simm.s32 $0x2100  }
0x118: {  	[tilespmem:s3], [sflag:$0x1] =	stream.indirect_vreg.gather [hbm4b:s8+s2], $0x80, v4, vm0, $0xb8;
	[tilespmem:$0x1C100] =	vst v63  }
0x119: {  	s30 =	simm.s32 $0x2900  }
0x11a: {  	[tilespmem:s30], [sflag:$0x1] =	stream.indirect_vreg.gather [hbm4b:s9+s2], $0x80, v4, vm0, $0xb8;
	[tilespmem:$0x1C100] =	vst v63  }
0x11b: {  	s1 =	simm.s32 $0x3100  }
0x11c: {  	[tilespmem:s1], [sflag:$0x1] =	stream.indirect_vreg.gather [hbm4b:s10+s2], $0x80, v4, vm0, $0xb8;
	[tilespmem:$0x1C100] =	vst v63  }
0x11d: {  	s30 =	simm.s32 $0x3900  }
0x11e: {  	[tilespmem:s30], [sflag:$0x1] =	stream.indirect_vreg.gather [hbm4b:s11+s2], $0x80, v4, vm0, $0xb8;
	[tilespmem:$0x1C100] =	vst v63  }
0x11f: {  	s1 =	simm.s32 $0x4100  }
0x120: {  	[tilespmem:s1], [sflag:$0x1] =	stream.indirect_vreg.gather [hbm4b:s12+s2], $0x80, v4, vm0, $0xb8;
	[tilespmem:$0x1C100] =	vst v63  }
0x121: {  	v3 =	vperm.xlane v3, v2  }
0x122: {  	[tilespmem:s25], [sflag:$0x1] =	stream.indirect_vreg.gather [hbm4b:s13+s2], $0x80, v4, vm0, $0xb8;
	[tilespmem:$0x1C100] =	vst v63  }
0x123: {  	v3 =	vadd.s32 v1, v3;
	s30 =	simm.s32 $0x5100  }
0x124: {  	[tilespmem:s30], [sflag:$0x1] =	stream.indirect_vreg.gather [hbm4b:s26+s2], $0x80, v4, vm0, $0xb8;
	[tilespmem:$0x1C100] =	vst v63  }
0x125: {  	s30 =	simm.s32 $0x5900  }
0x126: {  	[tilespmem:s30], [sflag:$0x1] =	stream.indirect_vreg.gather [hbm4b:s28+s2], $0x80, v4, vm0, $0xb8;
	[tilespmem:$0x1C100] =	vst v63  }
0x127: {  	s30 =	simm.s32 $0x6100  }
0x128: {  	[tilespmem:s30], [sflag:$0x1] =	stream.indirect_vreg.gather [hbm4b:s31+s2], $0x80, v3, vm0, $0xb8;
	[tilespmem:$0x1C100] =	vst v63  }
0x129: {  	s30 =	simm.s32 $0x6900  }
0x12a: {  	[tilespmem:s30], [sflag:$0x1] =	stream.indirect_vreg.gather [hbm4b:s5+s2], $0x80, v3, vm0, $0xb8;
	[tilespmem:$0x1C100] =	vst v63  }
0x12b: {  	s30 =	simm.s32 $0x7100  }
0x12c: {  	[tilespmem:s30], [sflag:$0x1] =	stream.indirect_vreg.gather [hbm4b:s6+s2], $0x80, v3, vm0, $0xb8;
	[tilespmem:$0x1C100] =	vst v63  }
0x12d: {  	s30 =	simm.s32 $0x7900  }
0x12e: {  	[tilespmem:s30], [sflag:$0x1] =	stream.indirect_vreg.gather [hbm4b:s7+s2], $0x80, v3, vm0, $0xb8;
	[tilespmem:$0x1C100] =	vst v63  }
0x12f: {  	s30 =	simm.s32 $0x8100  }
0x130: {  	[tilespmem:s30], [sflag:$0x1] =	stream.indirect_vreg.gather [hbm4b:s8+s2], $0x80, v3, vm0, $0xb8;
	[tilespmem:$0x1C100] =	vst v63  }
0x131: {  	s30 =	simm.s32 $0x8900  }
0x132: {  	[tilespmem:s30], [sflag:$0x1] =	stream.indirect_vreg.gather [hbm4b:s9+s2], $0x80, v3, vm0, $0xb8;
	[tilespmem:$0x1C100] =	vst v63  }
0x133: {  	s30 =	simm.s32 $0x9100  }
0x134: {  	[tilespmem:s30], [sflag:$0x1] =	stream.indirect_vreg.gather [hbm4b:s10+s2], $0x80, v3, vm0, $0xb8;
	[tilespmem:$0x1C100] =	vst v63  }
0x135: {  	s30 =	simm.s32 $0x9900  }
0x136: {  	[tilespmem:s30], [sflag:$0x1] =	stream.indirect_vreg.gather [hbm4b:s11+s2], $0x80, v3, vm0, $0xb8;
	[tilespmem:$0x1C100] =	vst v63  }
0x137: {  	s30 =	simm.s32 $0xA100  }
0x138: {  	[tilespmem:s30], [sflag:$0x1] =	stream.indirect_vreg.gather [hbm4b:s12+s2], $0x80, v3, vm0, $0xb8;
	[tilespmem:$0x1C100] =	vst v63  }
0x139: {  	s30 =	simm.s32 $0xA900  }
0x13a: {  	[tilespmem:s30], [sflag:$0x1] =	stream.indirect_vreg.gather [hbm4b:s13+s2], $0x80, v3, vm0, $0xb8;
	[tilespmem:$0x1C100] =	vst v63  }
0x13b: {  	s30 =	simm.s32 $0xB100  }
0x13c: {  	[tilespmem:s30], [sflag:$0x1] =	stream.indirect_vreg.gather [hbm4b:s26+s2], $0x80, v3, vm0, $0xb8;
	[tilespmem:$0x1C100] =	vst v63  }
0x13d: {  	s30 =	simm.s32 $0xB900  }
0x13e: {  	[tilespmem:s30], [sflag:$0x1] =	stream.indirect_vreg.gather [hbm4b:s28+s2], $0x80, v3, vm0, $0xb8;
	[tilespmem:$0x1C100] =	vst v63  }
0x13f: {  	v3 =	vld [tilespmem:$0xB0];
	_ =	sdelay $0x4  }
0x140: {  	v53 =	vshrl.u32 v3, $0x3  }
0x141: {  	v4 =	vmul.u32 $0xC0, v53  }
0x142: {  	v3 =	vand.u32 $0x7, v3  }
0x143: {  	v3 =	vor.u32 v3, v4  }
0x144: {  	v4 =	vperm.xlane v3, v0;
	_ =	sdelay $0x1  }
0x145: {  	v4 =	vadd.s32 v1, v4;
	_ =	sdelay $0x3  }
0x146: {  	s30 =	simm.s32 $0xC100  }
0x147: {  	[tilespmem:s30], [sflag:$0x1] =	stream.indirect_vreg.gather [hbm4b:s31+s2], $0x80, v4, vm0, $0xb8;
	[tilespmem:$0x1C100] =	vst v63  }
0x148: {  	s30 =	simm.s32 $0xC900  }
0x149: {  	[tilespmem:s30], [sflag:$0x1] =	stream.indirect_vreg.gather [hbm4b:s5+s2], $0x80, v4, vm0, $0xb8;
	[tilespmem:$0x1C100] =	vst v63  }
0x14a: {  	s30 =	simm.s32 $0xD100  }
0x14b: {  	[tilespmem:s30], [sflag:$0x1] =	stream.indirect_vreg.gather [hbm4b:s6+s2], $0x80, v4, vm0, $0xb8;
	[tilespmem:$0x1C100] =	vst v63  }
0x14c: {  	s30 =	simm.s32 $0xD900  }
0x14d: {  	[tilespmem:s30], [sflag:$0x1] =	stream.indirect_vreg.gather [hbm4b:s7+s2], $0x80, v4, vm0, $0xb8;
	[tilespmem:$0x1C100] =	vst v63  }
0x14e: {  	s30 =	simm.s32 $0xE100  }
0x14f: {  	[tilespmem:s30], [sflag:$0x1] =	stream.indirect_vreg.gather [hbm4b:s8+s2], $0x80, v4, vm0, $0xb8;
	[tilespmem:$0x1C100] =	vst v63  }
0x150: {  	s30 =	simm.s32 $0xE900  }
0x151: {  	[tilespmem:s30], [sflag:$0x1] =	stream.indirect_vreg.gather [hbm4b:s9+s2], $0x80, v4, vm0, $0xb8;
	[tilespmem:$0x1C100] =	vst v63  }
0x152: {  	s30 =	simm.s32 $0xF100  }
0x153: {  	[tilespmem:s30], [sflag:$0x1] =	stream.indirect_vreg.gather [hbm4b:s10+s2], $0x80, v4, vm0, $0xb8;
	[tilespmem:$0x1C100] =	vst v63  }
0x154: {  	s30 =	simm.s32 $0xF900  }
0x155: {  	[tilespmem:s30], [sflag:$0x1] =	stream.indirect_vreg.gather [hbm4b:s11+s2], $0x80, v4, vm0, $0xb8;
	[tilespmem:$0x1C100] =	vst v63  }
0x156: {  	s30 =	simm.s32 $0x10100  }
0x157: {  	[tilespmem:s30], [sflag:$0x1] =	stream.indirect_vreg.gather [hbm4b:s12+s2], $0x80, v4, vm0, $0xb8;
	[tilespmem:$0x1C100] =	vst v63  }
0x158: {  	v3 =	vperm.xlane v3, v2;
	s30 =	simm.s32 $0x10900  }
0x159: {  	[tilespmem:s30], [sflag:$0x1] =	stream.indirect_vreg.gather [hbm4b:s13+s2], $0x80, v4, vm0, $0xb8;
	[tilespmem:$0x1C100] =	vst v63  }
0x15a: {  	v3 =	vadd.s32 v1, v3;
	s30 =	simm.s32 $0x11100  }
0x15b: {  	[tilespmem:s30], [sflag:$0x1] =	stream.indirect_vreg.gather [hbm4b:s26+s2], $0x80, v4, vm0, $0xb8;
	[tilespmem:$0x1C100] =	vst v63  }
0x15c: {  	s30 =	simm.s32 $0x11900  }
0x15d: {  	[tilespmem:s30], [sflag:$0x1] =	stream.indirect_vreg.gather [hbm4b:s28+s2], $0x80, v4, vm0, $0xb8;
	[tilespmem:$0x1C100] =	vst v63  }
0x15e: {  	s30 =	simm.s32 $0x12100  }
0x15f: {  	[tilespmem:s30], [sflag:$0x1] =	stream.indirect_vreg.gather [hbm4b:s31+s2], $0x80, v3, vm0, $0xb8;
	[tilespmem:$0x1C100] =	vst v63  }
0x160: {  	s30 =	simm.s32 $0x12900  }
0x161: {  	[tilespmem:s30], [sflag:$0x1] =	stream.indirect_vreg.gather [hbm4b:s5+s2], $0x80, v3, vm0, $0xb8;
	[tilespmem:$0x1C100] =	vst v63  }
0x162: {  	s30 =	simm.s32 $0x13100  }
0x163: {  	[tilespmem:s30], [sflag:$0x1] =	stream.indirect_vreg.gather [hbm4b:s6+s2], $0x80, v3, vm0, $0xb8;
	[tilespmem:$0x1C100] =	vst v63  }
0x164: {  	s30 =	simm.s32 $0x13900  }
0x165: {  	[tilespmem:s30], [sflag:$0x1] =	stream.indirect_vreg.gather [hbm4b:s7+s2], $0x80, v3, vm0, $0xb8;
	[tilespmem:$0x1C100] =	vst v63  }
0x166: {  	s30 =	simm.s32 $0x14100  }
0x167: {  	[tilespmem:s30], [sflag:$0x1] =	stream.indirect_vreg.gather [hbm4b:s8+s2], $0x80, v3, vm0, $0xb8;
	[tilespmem:$0x1C100] =	vst v63  }
0x168: {  	s30 =	simm.s32 $0x14900  }
0x169: {  	[tilespmem:s30], [sflag:$0x1] =	stream.indirect_vreg.gather [hbm4b:s9+s2], $0x80, v3, vm0, $0xb8;
	[tilespmem:$0x1C100] =	vst v63  }
0x16a: {  	s30 =	simm.s32 $0x15100  }
0x16b: {  	[tilespmem:s30], [sflag:$0x1] =	stream.indirect_vreg.gather [hbm4b:s10+s2], $0x80, v3, vm0, $0xb8;
	[tilespmem:$0x1C100] =	vst v63  }
0x16c: {  	s30 =	simm.s32 $0x15900  }
0x16d: {  	[tilespmem:s30], [sflag:$0x1] =	stream.indirect_vreg.gather [hbm4b:s11+s2], $0x80, v3, vm0, $0xb8;
	[tilespmem:$0x1C100] =	vst v63  }
0x16e: {  	s30 =	simm.s32 $0x16100  }
0x16f: {  	[tilespmem:s30], [sflag:$0x1] =	stream.indirect_vreg.gather [hbm4b:s12+s2], $0x80, v3, vm0, $0xb8;
	[tilespmem:$0x1C100] =	vst v63  }
0x170: {  	s30 =	simm.s32 $0x16900  }
0x171: {  	[tilespmem:s30], [sflag:$0x1] =	stream.indirect_vreg.gather [hbm4b:s13+s2], $0x80, v3, vm0, $0xb8;
	[tilespmem:$0x1C100] =	vst v63  }
0x172: {  	s30 =	simm.s32 $0x17100  }
0x173: {  	[tilespmem:s30], [sflag:$0x1] =	stream.indirect_vreg.gather [hbm4b:s26+s2], $0x80, v3, vm0, $0xb8;
	[tilespmem:$0x1C100] =	vst v63  }
0x174: {  	s30 =	simm.s32 $0x17900  }
0x175: {  	[tilespmem:s30], [sflag:$0x1] =	stream.indirect_vreg.gather [hbm4b:s28+s2], $0x80, v3, vm0, $0xb8;
	[tilespmem:$0x1C100] =	vst v63  }
0x176: {  	_ =	swait.ge [sflag:s29], $0x18000  }
0x177: {  	[sflag:s29] =	ssyncset.done $0x0  }
0x178: {  	[sflag:s29] =	ssyncadd.s32 $0xFFFE8000  }
0x179: {  	v3 =	vld [tilespmem:$0x20];
	_ =	sdelay $0x4  }
0x17a: {  	v54 =	vshrl.u32 v3, $0x3  }
0x17b: {  	v4 =	vmul.u32 $0xC0, v54  }
0x17c: {  	v3 =	vand.u32 $0x7, v3  }
0x17d: {  	v3 =	vor.u32 v3, v4  }
0x17e: {  	v4 =	vperm.xlane v3, v0;
	_ =	sdelay $0x1  }
0x17f: {  	v4 =	vadd.s32 v1, v4;
	_ =	sdelay $0x3  }
0x180: {  	s0 =	simm.s32 $0x100  }
0x181: {  	[hbm4b:s4+s2] =	stream.indirect_vreg.scatter [tilespmem:s0], [sflag:$0x1], $0x80, v4, vm0, $0xb8;
	[tilespmem:$0x1C100] =	vst v63  }
0x182: {  	s0 =	simm.s32 $0x900  }
0x183: {  	[hbm4b:s14+s2] =	stream.indirect_vreg.scatter [tilespmem:s0], [sflag:$0x1], $0x80, v4, vm0, $0xb8;
	[tilespmem:$0x1C100] =	vst v63  }
0x184: {  	s0 =	simm.s32 $0x1100  }
0x185: {  	[hbm4b:s15+s2] =	stream.indirect_vreg.scatter [tilespmem:s0], [sflag:$0x1], $0x80, v4, vm0, $0xb8;
	[tilespmem:$0x1C100] =	vst v63  }
0x186: {  	s0 =	simm.s32 $0x1900  }
0x187: {  	[hbm4b:s16+s2] =	stream.indirect_vreg.scatter [tilespmem:s0], [sflag:$0x1], $0x80, v4, vm0, $0xb8;
	[tilespmem:$0x1C100] =	vst v63  }
0x188: {  	s3 =	simm.s32 $0x2100  }
0x189: {  	[hbm4b:s17+s2] =	stream.indirect_vreg.scatter [tilespmem:s3], [sflag:$0x1], $0x80, v4, vm0, $0xb8;
	[tilespmem:$0x1C100] =	vst v63  }
0x18a: {  	s0 =	simm.s32 $0x2900  }
0x18b: {  	[hbm4b:s18+s2] =	stream.indirect_vreg.scatter [tilespmem:s0], [sflag:$0x1], $0x80, v4, vm0, $0xb8;
	[tilespmem:$0x1C100] =	vst v63  }
0x18c: {  	s3 =	simm.s32 $0x3100  }
0x18d: {  	[hbm4b:s19+s2] =	stream.indirect_vreg.scatter [tilespmem:s3], [sflag:$0x1], $0x80, v4, vm0, $0xb8;
	[tilespmem:$0x1C100] =	vst v63  }
0x18e: {  	s3 =	simm.s32 $0x3900  }
0x18f: {  	[hbm4b:s20+s2] =	stream.indirect_vreg.scatter [tilespmem:s3], [sflag:$0x1], $0x80, v4, vm0, $0xb8;
	[tilespmem:$0x1C100] =	vst v63  }
0x190: {  	s1 =	simm.s32 $0x4100  }
0x191: {  	[hbm4b:s21+s2] =	stream.indirect_vreg.scatter [tilespmem:s1], [sflag:$0x1], $0x80, v4, vm0, $0xb8;
	[tilespmem:$0x1C100] =	vst v63  }
0x192: {  	s25 =	simm.s32 $0x4900;
	v3 =	vperm.xlane v3, v2  }
0x193: {  	[hbm4b:s22+s2] =	stream.indirect_vreg.scatter [tilespmem:s25], [sflag:$0x1], $0x80, v4, vm0, $0xb8;
	[tilespmem:$0x1C100] =	vst v63  }
0x194: {  	v3 =	vadd.s32 v1, v3;
	s3 =	simm.s32 $0x5100  }
0x195: {  	[hbm4b:s23+s2] =	stream.indirect_vreg.scatter [tilespmem:s3], [sflag:$0x1], $0x80, v4, vm0, $0xb8;
	[tilespmem:$0x1C100] =	vst v63  }
0x196: {  	s1 =	simm.s32 $0x5900  }
0x197: {  	[hbm4b:s24+s2] =	stream.indirect_vreg.scatter [tilespmem:s1], [sflag:$0x1], $0x80, v4, vm0, $0xb8;
	[tilespmem:$0x1C100] =	vst v63  }
0x198: {  	s25 =	simm.s32 $0x6100  }
0x199: {  	[hbm4b:s4+s2] =	stream.indirect_vreg.scatter [tilespmem:s25], [sflag:$0x1], $0x80, v3, vm0, $0xb8;
	[tilespmem:$0x1C100] =	vst v63  }
0x19a: {  	s3 =	simm.s32 $0x6900  }
0x19b: {  	[hbm4b:s14+s2] =	stream.indirect_vreg.scatter [tilespmem:s3], [sflag:$0x1], $0x80, v3, vm0, $0xb8;
	[tilespmem:$0x1C100] =	vst v63  }
0x19c: {  	s25 =	simm.s32 $0x7100  }
0x19d: {  	[hbm4b:s15+s2] =	stream.indirect_vreg.scatter [tilespmem:s25], [sflag:$0x1], $0x80, v3, vm0, $0xb8;
	[tilespmem:$0x1C100] =	vst v63  }
0x19e: {  	s25 =	simm.s32 $0x7900  }
0x19f: {  	[hbm4b:s16+s2] =	stream.indirect_vreg.scatter [tilespmem:s25], [sflag:$0x1], $0x80, v3, vm0, $0xb8;
	[tilespmem:$0x1C100] =	vst v63  }
0x1a0: {  	s25 =	simm.s32 $0x8100  }
0x1a1: {  	[hbm4b:s17+s2] =	stream.indirect_vreg.scatter [tilespmem:s25], [sflag:$0x1], $0x80, v3, vm0, $0xb8;
	[tilespmem:$0x1C100] =	vst v63  }
0x1a2: {  	s25 =	simm.s32 $0x8900  }
0x1a3: {  	[hbm4b:s18+s2] =	stream.indirect_vreg.scatter [tilespmem:s25], [sflag:$0x1], $0x80, v3, vm0, $0xb8;
	[tilespmem:$0x1C100] =	vst v63  }
0x1a4: {  	s25 =	simm.s32 $0x9100  }
0x1a5: {  	[hbm4b:s19+s2] =	stream.indirect_vreg.scatter [tilespmem:s25], [sflag:$0x1], $0x80, v3, vm0, $0xb8;
	[tilespmem:$0x1C100] =	vst v63  }
0x1a6: {  	s25 =	simm.s32 $0x9900  }
0x1a7: {  	[hbm4b:s20+s2] =	stream.indirect_vreg.scatter [tilespmem:s25], [sflag:$0x1], $0x80, v3, vm0, $0xb8;
	[tilespmem:$0x1C100] =	vst v63  }
0x1a8: {  	s25 =	simm.s32 $0xA100  }
0x1a9: {  	[hbm4b:s21+s2] =	stream.indirect_vreg.scatter [tilespmem:s25], [sflag:$0x1], $0x80, v3, vm0, $0xb8;
	[tilespmem:$0x1C100] =	vst v63  }
0x1aa: {  	s25 =	simm.s32 $0xA900  }
0x1ab: {  	[hbm4b:s22+s2] =	stream.indirect_vreg.scatter [tilespmem:s25], [sflag:$0x1], $0x80, v3, vm0, $0xb8;
	[tilespmem:$0x1C100] =	vst v63  }
0x1ac: {  	s25 =	simm.s32 $0xB100  }
0x1ad: {  	[hbm4b:s23+s2] =	stream.indirect_vreg.scatter [tilespmem:s25], [sflag:$0x1], $0x80, v3, vm0, $0xb8;
	[tilespmem:$0x1C100] =	vst v63  }
0x1ae: {  	s25 =	simm.s32 $0xB900  }
0x1af: {  	[hbm4b:s24+s2] =	stream.indirect_vreg.scatter [tilespmem:s25], [sflag:$0x1], $0x80, v3, vm0, $0xb8;
	[tilespmem:$0x1C100] =	vst v63  }
0x1b0: {  	v3 =	vld [tilespmem:$0x30];
	_ =	sdelay $0x4  }
0x1b1: {  	v55 =	vshrl.u32 v3, $0x3  }
0x1b2: {  	v4 =	vmul.u32 $0xC0, v55  }
0x1b3: {  	v3 =	vand.u32 $0x7, v3  }
0x1b4: {  	v3 =	vor.u32 v3, v4  }
0x1b5: {  	v4 =	vperm.xlane v3, v0;
	_ =	sdelay $0x1  }
0x1b6: {  	v4 =	vadd.s32 v1, v4;
	_ =	sdelay $0x3  }
0x1b7: {  	s25 =	simm.s32 $0xC100  }
0x1b8: {  	[hbm4b:s4+s2] =	stream.indirect_vreg.scatter [tilespmem:s25], [sflag:$0x1], $0x80, v4, vm0, $0xb8;
	[tilespmem:$0x1C100] =	vst v63  }
0x1b9: {  	s25 =	simm.s32 $0xC900  }
0x1ba: {  	[hbm4b:s14+s2] =	stream.indirect_vreg.scatter [tilespmem:s25], [sflag:$0x1], $0x80, v4, vm0, $0xb8;
	[tilespmem:$0x1C100] =	vst v63  }
0x1bb: {  	s25 =	simm.s32 $0xD100  }
0x1bc: {  	[hbm4b:s15+s2] =	stream.indirect_vreg.scatter [tilespmem:s25], [sflag:$0x1], $0x80, v4, vm0, $0xb8;
	[tilespmem:$0x1C100] =	vst v63  }
0x1bd: {  	s25 =	simm.s32 $0xD900  }
0x1be: {  	[hbm4b:s16+s2] =	stream.indirect_vreg.scatter [tilespmem:s25], [sflag:$0x1], $0x80, v4, vm0, $0xb8;
	[tilespmem:$0x1C100] =	vst v63  }
0x1bf: {  	s25 =	simm.s32 $0xE100  }
0x1c0: {  	[hbm4b:s17+s2] =	stream.indirect_vreg.scatter [tilespmem:s25], [sflag:$0x1], $0x80, v4, vm0, $0xb8;
	[tilespmem:$0x1C100] =	vst v63  }
0x1c1: {  	s25 =	simm.s32 $0xE900  }
0x1c2: {  	[hbm4b:s18+s2] =	stream.indirect_vreg.scatter [tilespmem:s25], [sflag:$0x1], $0x80, v4, vm0, $0xb8;
	[tilespmem:$0x1C100] =	vst v63  }
0x1c3: {  	s25 =	simm.s32 $0xF100  }
0x1c4: {  	[hbm4b:s19+s2] =	stream.indirect_vreg.scatter [tilespmem:s25], [sflag:$0x1], $0x80, v4, vm0, $0xb8;
	[tilespmem:$0x1C100] =	vst v63  }
0x1c5: {  	s25 =	simm.s32 $0xF900  }
0x1c6: {  	[hbm4b:s20+s2] =	stream.indirect_vreg.scatter [tilespmem:s25], [sflag:$0x1], $0x80, v4, vm0, $0xb8;
	[tilespmem:$0x1C100] =	vst v63  }
0x1c7: {  	s25 =	simm.s32 $0x10100  }
0x1c8: {  	[hbm4b:s21+s2] =	stream.indirect_vreg.scatter [tilespmem:s25], [sflag:$0x1], $0x80, v4, vm0, $0xb8;
	[tilespmem:$0x1C100] =	vst v63  }
0x1c9: {  	v3 =	vperm.xlane v3, v2;
	s25 =	simm.s32 $0x10900  }
0x1ca: {  	[hbm4b:s22+s2] =	stream.indirect_vreg.scatter [tilespmem:s25], [sflag:$0x1], $0x80, v4, vm0, $0xb8;
	[tilespmem:$0x1C100] =	vst v63  }
0x1cb: {  	v3 =	vadd.s32 v1, v3;
	s25 =	simm.s32 $0x11100  }
0x1cc: {  	[hbm4b:s23+s2] =	stream.indirect_vreg.scatter [tilespmem:s25], [sflag:$0x1], $0x80, v4, vm0, $0xb8;
	[tilespmem:$0x1C100] =	vst v63  }
0x1cd: {  	s25 =	simm.s32 $0x11900  }
0x1ce: {  	[hbm4b:s24+s2] =	stream.indirect_vreg.scatter [tilespmem:s25], [sflag:$0x1], $0x80, v4, vm0, $0xb8;
	[tilespmem:$0x1C100] =	vst v63  }
0x1cf: {  	s25 =	simm.s32 $0x12100  }
0x1d0: {  	[hbm4b:s4+s2] =	stream.indirect_vreg.scatter [tilespmem:s25], [sflag:$0x1], $0x80, v3, vm0, $0xb8;
	[tilespmem:$0x1C100] =	vst v63  }
0x1d1: {  	s25 =	simm.s32 $0x12900  }
0x1d2: {  	[hbm4b:s14+s2] =	stream.indirect_vreg.scatter [tilespmem:s25], [sflag:$0x1], $0x80, v3, vm0, $0xb8;
	[tilespmem:$0x1C100] =	vst v63  }
0x1d3: {  	s25 =	simm.s32 $0x13100  }
0x1d4: {  	[hbm4b:s15+s2] =	stream.indirect_vreg.scatter [tilespmem:s25], [sflag:$0x1], $0x80, v3, vm0, $0xb8;
	[tilespmem:$0x1C100] =	vst v63  }
0x1d5: {  	s25 =	simm.s32 $0x13900  }
0x1d6: {  	[hbm4b:s16+s2] =	stream.indirect_vreg.scatter [tilespmem:s25], [sflag:$0x1], $0x80, v3, vm0, $0xb8;
	[tilespmem:$0x1C100] =	vst v63  }
0x1d7: {  	s25 =	simm.s32 $0x14100  }
0x1d8: {  	[hbm4b:s17+s2] =	stream.indirect_vreg.scatter [tilespmem:s25], [sflag:$0x1], $0x80, v3, vm0, $0xb8;
	[tilespmem:$0x1C100] =	vst v63  }
0x1d9: {  	s25 =	simm.s32 $0x14900  }
0x1da: {  	[hbm4b:s18+s2] =	stream.indirect_vreg.scatter [tilespmem:s25], [sflag:$0x1], $0x80, v3, vm0, $0xb8;
	[tilespmem:$0x1C100] =	vst v63  }
0x1db: {  	s25 =	simm.s32 $0x15100  }
0x1dc: {  	[hbm4b:s19+s2] =	stream.indirect_vreg.scatter [tilespmem:s25], [sflag:$0x1], $0x80, v3, vm0, $0xb8;
	[tilespmem:$0x1C100] =	vst v63  }
0x1dd: {  	s25 =	simm.s32 $0x15900  }
0x1de: {  	[hbm4b:s20+s2] =	stream.indirect_vreg.scatter [tilespmem:s25], [sflag:$0x1], $0x80, v3, vm0, $0xb8;
	[tilespmem:$0x1C100] =	vst v63  }
0x1df: {  	s25 =	simm.s32 $0x16100  }
0x1e0: {  	[hbm4b:s21+s2] =	stream.indirect_vreg.scatter [tilespmem:s25], [sflag:$0x1], $0x80, v3, vm0, $0xb8;
	[tilespmem:$0x1C100] =	vst v63  }
0x1e1: {  	s25 =	simm.s32 $0x16900  }
0x1e2: {  	[hbm4b:s22+s2] =	stream.indirect_vreg.scatter [tilespmem:s25], [sflag:$0x1], $0x80, v3, vm0, $0xb8;
	[tilespmem:$0x1C100] =	vst v63  }
0x1e3: {  	s25 =	simm.s32 $0x17100  }
0x1e4: {  	[hbm4b:s23+s2] =	stream.indirect_vreg.scatter [tilespmem:s25], [sflag:$0x1], $0x80, v3, vm0, $0xb8;
	[tilespmem:$0x1C100] =	vst v63  }
0x1e5: {  	_ = 	snop  }
0x1e6: {  	[hbm4b:s24+s2] =	stream.indirect_vreg.scatter [tilespmem:s30], [sflag:$0x1], $0x80, v3, vm0, $0xb8;
	[tilespmem:$0x1C100] =	vst v63  }
0x1e7: {  	_ =	swait.ge [sflag:s29], $0x18000  }
0x1e8: {  	[sflag:s29] =	ssyncset.done $0x0  }
0x1e9: {  	[sflag:s29] =	ssyncadd.s32 $0xFFFE8000  }
0x1ea: {  	v3 =	vld [tilespmem:$0xC0];
	_ =	sdelay $0x4  }
0x1eb: {  	v56 =	vshrl.u32 v3, $0x3  }
0x1ec: {  	v4 =	vmul.u32 $0xC0, v56  }
0x1ed: {  	v3 =	vand.u32 $0x7, v3  }
0x1ee: {  	v3 =	vor.u32 v3, v4  }
0x1ef: {  	v4 =	vperm.xlane v3, v0;
	_ =	sdelay $0x1  }
0x1f0: {  	v4 =	vadd.s32 v1, v4;
	_ =	sdelay $0x3  }
0x1f1: {  	s30 =	simm.s32 $0x100  }
0x1f2: {  	[tilespmem:s30], [sflag:$0x1] =	stream.indirect_vreg.gather [hbm4b:s31+s2], $0x80, v4, vm0, $0xb8;
	[tilespmem:$0x1C100] =	vst v63  }
0x1f3: {  	s30 =	simm.s32 $0x900  }
0x1f4: {  	[tilespmem:s30], [sflag:$0x1] =	stream.indirect_vreg.gather [hbm4b:s5+s2], $0x80, v4, vm0, $0xb8;
	[tilespmem:$0x1C100] =	vst v63  }
0x1f5: {  	s30 =	simm.s32 $0x1100  }
0x1f6: {  	[tilespmem:s30], [sflag:$0x1] =	stream.indirect_vreg.gather [hbm4b:s6+s2], $0x80, v4, vm0, $0xb8;
	[tilespmem:$0x1C100] =	vst v63  }
0x1f7: {  	s25 =	simm.s32 $0x1900  }
0x1f8: {  	[tilespmem:s25], [sflag:$0x1] =	stream.indirect_vreg.gather [hbm4b:s7+s2], $0x80, v4, vm0, $0xb8;
	[tilespmem:$0x1C100] =	vst v63  }
0x1f9: {  	s30 =	simm.s32 $0x2100  }
0x1fa: {  	[tilespmem:s30], [sflag:$0x1] =	stream.indirect_vreg.gather [hbm4b:s8+s2], $0x80, v4, vm0, $0xb8;
	[tilespmem:$0x1C100] =	vst v63  }
0x1fb: {  	_ = 	snop  }
0x1fc: {  	[tilespmem:s0], [sflag:$0x1] =	stream.indirect_vreg.gather [hbm4b:s9+s2], $0x80, v4, vm0, $0xb8;
	[tilespmem:$0x1C100] =	vst v63  }
0x1fd: {  	s0 =	simm.s32 $0x3100  }
0x1fe: {  	[tilespmem:s0], [sflag:$0x1] =	stream.indirect_vreg.gather [hbm4b:s10+s2], $0x80, v4, vm0, $0xb8;
	[tilespmem:$0x1C100] =	vst v63  }
0x1ff: {  	s30 =	simm.s32 $0x3900  }
0x200: {  	[tilespmem:s30], [sflag:$0x1] =	stream.indirect_vreg.gather [hbm4b:s11+s2], $0x80, v4, vm0, $0xb8;
	[tilespmem:$0x1C100] =	vst v63  }
0x201: {  	s30 =	simm.s32 $0x4100  }
0x202: {  	[tilespmem:s30], [sflag:$0x1] =	stream.indirect_vreg.gather [hbm4b:s12+s2], $0x80, v4, vm0, $0xb8;
	[tilespmem:$0x1C100] =	vst v63  }
0x203: {  	v3 =	vperm.xlane v3, v2;
	s30 =	simm.s32 $0x4900  }
0x204: {  	[tilespmem:s30], [sflag:$0x1] =	stream.indirect_vreg.gather [hbm4b:s13+s2], $0x80, v4, vm0, $0xb8;
	[tilespmem:$0x1C100] =	vst v63  }
0x205: {  	v3 =	vadd.s32 v1, v3;
	s30 =	simm.s32 $0x5100  }
0x206: {  	[tilespmem:s30], [sflag:$0x1] =	stream.indirect_vreg.gather [hbm4b:s26+s2], $0x80, v4, vm0, $0xb8;
	[tilespmem:$0x1C100] =	vst v63  }
0x207: {  	_ = 	snop  }
0x208: {  	[tilespmem:s1], [sflag:$0x1] =	stream.indirect_vreg.gather [hbm4b:s28+s2], $0x80, v4, vm0, $0xb8;
	[tilespmem:$0x1C100] =	vst v63  }
0x209: {  	s1 =	simm.s32 $0x6100  }
0x20a: {  	[tilespmem:s1], [sflag:$0x1] =	stream.indirect_vreg.gather [hbm4b:s31+s2], $0x80, v3, vm0, $0xb8;
	[tilespmem:$0x1C100] =	vst v63  }
0x20b: {  	_ = 	snop  }
0x20c: {  	[tilespmem:s3], [sflag:$0x1] =	stream.indirect_vreg.gather [hbm4b:s5+s2], $0x80, v3, vm0, $0xb8;
	[tilespmem:$0x1C100] =	vst v63  }
0x20d: {  	s3 =	simm.s32 $0x7100  }
0x20e: {  	[tilespmem:s3], [sflag:$0x1] =	stream.indirect_vreg.gather [hbm4b:s6+s2], $0x80, v3, vm0, $0xb8;
	[tilespmem:$0x1C100] =	vst v63  }
0x20f: {  	s30 =	simm.s32 $0x7900  }
0x210: {  	[tilespmem:s30], [sflag:$0x1] =	stream.indirect_vreg.gather [hbm4b:s7+s2], $0x80, v3, vm0, $0xb8;
	[tilespmem:$0x1C100] =	vst v63  }
0x211: {  	s30 =	simm.s32 $0x8100  }
0x212: {  	[tilespmem:s30], [sflag:$0x1] =	stream.indirect_vreg.gather [hbm4b:s8+s2], $0x80, v3, vm0, $0xb8;
	[tilespmem:$0x1C100] =	vst v63  }
0x213: {  	s30 =	simm.s32 $0x8900  }
0x214: {  	[tilespmem:s30], [sflag:$0x1] =	stream.indirect_vreg.gather [hbm4b:s9+s2], $0x80, v3, vm0, $0xb8;
	[tilespmem:$0x1C100] =	vst v63  }
0x215: {  	s30 =	simm.s32 $0x9100  }
0x216: {  	[tilespmem:s30], [sflag:$0x1] =	stream.indirect_vreg.gather [hbm4b:s10+s2], $0x80, v3, vm0, $0xb8;
	[tilespmem:$0x1C100] =	vst v63  }
0x217: {  	s30 =	simm.s32 $0x9900  }
0x218: {  	[tilespmem:s30], [sflag:$0x1] =	stream.indirect_vreg.gather [hbm4b:s11+s2], $0x80, v3, vm0, $0xb8;
	[tilespmem:$0x1C100] =	vst v63  }
0x219: {  	s30 =	simm.s32 $0xA100  }
0x21a: {  	[tilespmem:s30], [sflag:$0x1] =	stream.indirect_vreg.gather [hbm4b:s12+s2], $0x80, v3, vm0, $0xb8;
	[tilespmem:$0x1C100] =	vst v63  }
0x21b: {  	s30 =	simm.s32 $0xA900  }
0x21c: {  	[tilespmem:s30], [sflag:$0x1] =	stream.indirect_vreg.gather [hbm4b:s13+s2], $0x80, v3, vm0, $0xb8;
	[tilespmem:$0x1C100] =	vst v63  }
0x21d: {  	s30 =	simm.s32 $0xB100  }
0x21e: {  	[tilespmem:s30], [sflag:$0x1] =	stream.indirect_vreg.gather [hbm4b:s26+s2], $0x80, v3, vm0, $0xb8;
	[tilespmem:$0x1C100] =	vst v63  }
0x21f: {  	s30 =	simm.s32 $0xB900  }
0x220: {  	[tilespmem:s30], [sflag:$0x1] =	stream.indirect_vreg.gather [hbm4b:s28+s2], $0x80, v3, vm0, $0xb8;
	[tilespmem:$0x1C100] =	vst v63  }
0x221: {  	v3 =	vld [tilespmem:$0xD0];
	_ =	sdelay $0x4  }
0x222: {  	v57 =	vshrl.u32 v3, $0x3  }
0x223: {  	v4 =	vmul.u32 $0xC0, v57  }
0x224: {  	v3 =	vand.u32 $0x7, v3  }
0x225: {  	v3 =	vor.u32 v3, v4  }
0x226: {  	v4 =	vperm.xlane v3, v0;
	_ =	sdelay $0x1  }
0x227: {  	v4 =	vadd.s32 v1, v4;
	_ =	sdelay $0x3  }
0x228: {  	s30 =	simm.s32 $0xC100  }
0x229: {  	[tilespmem:s30], [sflag:$0x1] =	stream.indirect_vreg.gather [hbm4b:s31+s2], $0x80, v4, vm0, $0xb8;
	[tilespmem:$0x1C100] =	vst v63  }
0x22a: {  	s30 =	simm.s32 $0xC900  }
0x22b: {  	[tilespmem:s30], [sflag:$0x1] =	stream.indirect_vreg.gather [hbm4b:s5+s2], $0x80, v4, vm0, $0xb8;
	[tilespmem:$0x1C100] =	vst v63  }
0x22c: {  	s30 =	simm.s32 $0xD100  }
0x22d: {  	[tilespmem:s30], [sflag:$0x1] =	stream.indirect_vreg.gather [hbm4b:s6+s2], $0x80, v4, vm0, $0xb8;
	[tilespmem:$0x1C100] =	vst v63  }
0x22e: {  	s30 =	simm.s32 $0xD900  }
0x22f: {  	[tilespmem:s30], [sflag:$0x1] =	stream.indirect_vreg.gather [hbm4b:s7+s2], $0x80, v4, vm0, $0xb8;
	[tilespmem:$0x1C100] =	vst v63  }
0x230: {  	s30 =	simm.s32 $0xE100  }
0x231: {  	[tilespmem:s30], [sflag:$0x1] =	stream.indirect_vreg.gather [hbm4b:s8+s2], $0x80, v4, vm0, $0xb8;
	[tilespmem:$0x1C100] =	vst v63  }
0x232: {  	s30 =	simm.s32 $0xE900  }
0x233: {  	[tilespmem:s30], [sflag:$0x1] =	stream.indirect_vreg.gather [hbm4b:s9+s2], $0x80, v4, vm0, $0xb8;
	[tilespmem:$0x1C100] =	vst v63  }
0x234: {  	s30 =	simm.s32 $0xF100  }
0x235: {  	[tilespmem:s30], [sflag:$0x1] =	stream.indirect_vreg.gather [hbm4b:s10+s2], $0x80, v4, vm0, $0xb8;
	[tilespmem:$0x1C100] =	vst v63  }
0x236: {  	s30 =	simm.s32 $0xF900  }
0x237: {  	[tilespmem:s30], [sflag:$0x1] =	stream.indirect_vreg.gather [hbm4b:s11+s2], $0x80, v4, vm0, $0xb8;
	[tilespmem:$0x1C100] =	vst v63  }
0x238: {  	s30 =	simm.s32 $0x10100  }
0x239: {  	[tilespmem:s30], [sflag:$0x1] =	stream.indirect_vreg.gather [hbm4b:s12+s2], $0x80, v4, vm0, $0xb8;
	[tilespmem:$0x1C100] =	vst v63  }
0x23a: {  	v3 =	vperm.xlane v3, v2;
	s30 =	simm.s32 $0x10900  }
0x23b: {  	[tilespmem:s30], [sflag:$0x1] =	stream.indirect_vreg.gather [hbm4b:s13+s2], $0x80, v4, vm0, $0xb8;
	[tilespmem:$0x1C100] =	vst v63  }
0x23c: {  	v3 =	vadd.s32 v1, v3;
	s30 =	simm.s32 $0x11100  }
0x23d: {  	[tilespmem:s30], [sflag:$0x1] =	stream.indirect_vreg.gather [hbm4b:s26+s2], $0x80, v4, vm0, $0xb8;
	[tilespmem:$0x1C100] =	vst v63  }
0x23e: {  	s30 =	simm.s32 $0x11900  }
0x23f: {  	[tilespmem:s30], [sflag:$0x1] =	stream.indirect_vreg.gather [hbm4b:s28+s2], $0x80, v4, vm0, $0xb8;
	[tilespmem:$0x1C100] =	vst v63  }
0x240: {  	s30 =	simm.s32 $0x12100  }
0x241: {  	[tilespmem:s30], [sflag:$0x1] =	stream.indirect_vreg.gather [hbm4b:s31+s2], $0x80, v3, vm0, $0xb8;
	[tilespmem:$0x1C100] =	vst v63  }
0x242: {  	s30 =	simm.s32 $0x12900  }
0x243: {  	[tilespmem:s30], [sflag:$0x1] =	stream.indirect_vreg.gather [hbm4b:s5+s2], $0x80, v3, vm0, $0xb8;
	[tilespmem:$0x1C100] =	vst v63  }
0x244: {  	s30 =	simm.s32 $0x13100  }
0x245: {  	[tilespmem:s30], [sflag:$0x1] =	stream.indirect_vreg.gather [hbm4b:s6+s2], $0x80, v3, vm0, $0xb8;
	[tilespmem:$0x1C100] =	vst v63  }
0x246: {  	s30 =	simm.s32 $0x13900  }
0x247: {  	[tilespmem:s30], [sflag:$0x1] =	stream.indirect_vreg.gather [hbm4b:s7+s2], $0x80, v3, vm0, $0xb8;
	[tilespmem:$0x1C100] =	vst v63  }
0x248: {  	s30 =	simm.s32 $0x14100  }
0x249: {  	[tilespmem:s30], [sflag:$0x1] =	stream.indirect_vreg.gather [hbm4b:s8+s2], $0x80, v3, vm0, $0xb8;
	[tilespmem:$0x1C100] =	vst v63  }
0x24a: {  	s30 =	simm.s32 $0x14900  }
0x24b: {  	[tilespmem:s30], [sflag:$0x1] =	stream.indirect_vreg.gather [hbm4b:s9+s2], $0x80, v3, vm0, $0xb8;
	[tilespmem:$0x1C100] =	vst v63  }
0x24c: {  	s30 =	simm.s32 $0x15100  }
0x24d: {  	[tilespmem:s30], [sflag:$0x1] =	stream.indirect_vreg.gather [hbm4b:s10+s2], $0x80, v3, vm0, $0xb8;
	[tilespmem:$0x1C100] =	vst v63  }
0x24e: {  	s30 =	simm.s32 $0x15900  }
0x24f: {  	[tilespmem:s30], [sflag:$0x1] =	stream.indirect_vreg.gather [hbm4b:s11+s2], $0x80, v3, vm0, $0xb8;
	[tilespmem:$0x1C100] =	vst v63  }
0x250: {  	s30 =	simm.s32 $0x16100  }
0x251: {  	[tilespmem:s30], [sflag:$0x1] =	stream.indirect_vreg.gather [hbm4b:s12+s2], $0x80, v3, vm0, $0xb8;
	[tilespmem:$0x1C100] =	vst v63  }
0x252: {  	s30 =	simm.s32 $0x16900  }
0x253: {  	[tilespmem:s30], [sflag:$0x1] =	stream.indirect_vreg.gather [hbm4b:s13+s2], $0x80, v3, vm0, $0xb8;
	[tilespmem:$0x1C100] =	vst v63  }
0x254: {  	s30 =	simm.s32 $0x17100  }
0x255: {  	[tilespmem:s30], [sflag:$0x1] =	stream.indirect_vreg.gather [hbm4b:s26+s2], $0x80, v3, vm0, $0xb8;
	[tilespmem:$0x1C100] =	vst v63  }
0x256: {  	s30 =	simm.s32 $0x17900  }
0x257: {  	[tilespmem:s30], [sflag:$0x1] =	stream.indirect_vreg.gather [hbm4b:s28+s2], $0x80, v3, vm0, $0xb8;
	[tilespmem:$0x1C100] =	vst v63  }
0x258: {  	_ =	swait.ge [sflag:s29], $0x18000  }
0x259: {  	[sflag:s29] =	ssyncset.done $0x0  }
0x25a: {  	[sflag:s29] =	ssyncadd.s32 $0xFFFE8000  }
0x25b: {  	v3 =	vld [tilespmem:$0x40];
	_ =	sdelay $0x4  }
0x25c: {  	v58 =	vshrl.u32 v3, $0x3  }
0x25d: {  	v4 =	vmul.u32 $0xC0, v58  }
0x25e: {  	v3 =	vand.u32 $0x7, v3  }
0x25f: {  	v3 =	vor.u32 v3, v4  }
0x260: {  	v4 =	vperm.xlane v3, v0;
	_ =	sdelay $0x1  }
0x261: {  	v4 =	vadd.s32 v1, v4;
	_ =	sdelay $0x3  }
0x262: {  	s30 =	simm.s32 $0x100  }
0x263: {  	[hbm4b:s4+s2] =	stream.indirect_vreg.scatter [tilespmem:s30], [sflag:$0x1], $0x80, v4, vm0, $0xb8;
	[tilespmem:$0x1C100] =	vst v63  }
0x264: {  	s30 =	simm.s32 $0x900  }
0x265: {  	[hbm4b:s14+s2] =	stream.indirect_vreg.scatter [tilespmem:s30], [sflag:$0x1], $0x80, v4, vm0, $0xb8;
	[tilespmem:$0x1C100] =	vst v63  }
0x266: {  	s30 =	simm.s32 $0x1100  }
0x267: {  	[hbm4b:s15+s2] =	stream.indirect_vreg.scatter [tilespmem:s30], [sflag:$0x1], $0x80, v4, vm0, $0xb8;
	[tilespmem:$0x1C100] =	vst v63  }
0x268: {  	_ = 	snop  }
0x269: {  	[hbm4b:s16+s2] =	stream.indirect_vreg.scatter [tilespmem:s25], [sflag:$0x1], $0x80, v4, vm0, $0xb8;
	[tilespmem:$0x1C100] =	vst v63  }
0x26a: {  	s30 =	simm.s32 $0x2100  }
0x26b: {  	[hbm4b:s17+s2] =	stream.indirect_vreg.scatter [tilespmem:s30], [sflag:$0x1], $0x80, v4, vm0, $0xb8;
	[tilespmem:$0x1C100] =	vst v63  }
0x26c: {  	s25 =	simm.s32 $0x2900  }
0x26d: {  	[hbm4b:s18+s2] =	stream.indirect_vreg.scatter [tilespmem:s25], [sflag:$0x1], $0x80, v4, vm0, $0xb8;
	[tilespmem:$0x1C100] =	vst v63  }
0x26e: {  	_ = 	snop  }
0x26f: {  	[hbm4b:s19+s2] =	stream.indirect_vreg.scatter [tilespmem:s0], [sflag:$0x1], $0x80, v4, vm0, $0xb8;
	[tilespmem:$0x1C100] =	vst v63  }
0x270: {  	s30 =	simm.s32 $0x3900  }
0x271: {  	[hbm4b:s20+s2] =	stream.indirect_vreg.scatter [tilespmem:s30], [sflag:$0x1], $0x80, v4, vm0, $0xb8;
	[tilespmem:$0x1C100] =	vst v63  }
0x272: {  	s30 =	simm.s32 $0x4100  }
0x273: {  	[hbm4b:s21+s2] =	stream.indirect_vreg.scatter [tilespmem:s30], [sflag:$0x1], $0x80, v4, vm0, $0xb8;
	[tilespmem:$0x1C100] =	vst v63  }
0x274: {  	v3 =	vperm.xlane v3, v2;
	s30 =	simm.s32 $0x4900  }
0x275: {  	[hbm4b:s22+s2] =	stream.indirect_vreg.scatter [tilespmem:s30], [sflag:$0x1], $0x80, v4, vm0, $0xb8;
	[tilespmem:$0x1C100] =	vst v63  }
0x276: {  	v3 =	vadd.s32 v1, v3;
	s30 =	simm.s32 $0x5100  }
0x277: {  	[hbm4b:s23+s2] =	stream.indirect_vreg.scatter [tilespmem:s30], [sflag:$0x1], $0x80, v4, vm0, $0xb8;
	[tilespmem:$0x1C100] =	vst v63  }
0x278: {  	s30 =	simm.s32 $0x5900  }
0x279: {  	[hbm4b:s24+s2] =	stream.indirect_vreg.scatter [tilespmem:s30], [sflag:$0x1], $0x80, v4, vm0, $0xb8;
	[tilespmem:$0x1C100] =	vst v63  }
0x27a: {  	_ = 	snop  }
0x27b: {  	[hbm4b:s4+s2] =	stream.indirect_vreg.scatter [tilespmem:s1], [sflag:$0x1], $0x80, v3, vm0, $0xb8;
	[tilespmem:$0x1C100] =	vst v63  }
0x27c: {  	s1 =	simm.s32 $0x6900  }
0x27d: {  	[hbm4b:s14+s2] =	stream.indirect_vreg.scatter [tilespmem:s1], [sflag:$0x1], $0x80, v3, vm0, $0xb8;
	[tilespmem:$0x1C100] =	vst v63  }
0x27e: {  	_ = 	snop  }
0x27f: {  	[hbm4b:s15+s2] =	stream.indirect_vreg.scatter [tilespmem:s3], [sflag:$0x1], $0x80, v3, vm0, $0xb8;
	[tilespmem:$0x1C100] =	vst v63  }
0x280: {  	s3 =	simm.s32 $0x7900  }
0x281: {  	[hbm4b:s16+s2] =	stream.indirect_vreg.scatter [tilespmem:s3], [sflag:$0x1], $0x80, v3, vm0, $0xb8;
	[tilespmem:$0x1C100] =	vst v63  }
0x282: {  	s1 =	simm.s32 $0x8100  }
0x283: {  	[hbm4b:s17+s2] =	stream.indirect_vreg.scatter [tilespmem:s1], [sflag:$0x1], $0x80, v3, vm0, $0xb8;
	[tilespmem:$0x1C100] =	vst v63  }
0x284: {  	s3 =	simm.s32 $0x8900  }
0x285: {  	[hbm4b:s18+s2] =	stream.indirect_vreg.scatter [tilespmem:s3], [sflag:$0x1], $0x80, v3, vm0, $0xb8;
	[tilespmem:$0x1C100] =	vst v63  }
0x286: {  	s1 =	simm.s32 $0x9100  }
0x287: {  	[hbm4b:s19+s2] =	stream.indirect_vreg.scatter [tilespmem:s1], [sflag:$0x1], $0x80, v3, vm0, $0xb8;
	[tilespmem:$0x1C100] =	vst v63  }
0x288: {  	s3 =	simm.s32 $0x9900  }
0x289: {  	[hbm4b:s20+s2] =	stream.indirect_vreg.scatter [tilespmem:s3], [sflag:$0x1], $0x80, v3, vm0, $0xb8;
	[tilespmem:$0x1C100] =	vst v63  }
0x28a: {  	s1 =	simm.s32 $0xA100  }
0x28b: {  	[hbm4b:s21+s2] =	stream.indirect_vreg.scatter [tilespmem:s1], [sflag:$0x1], $0x80, v3, vm0, $0xb8;
	[tilespmem:$0x1C100] =	vst v63  }
0x28c: {  	s3 =	simm.s32 $0xA900  }
0x28d: {  	[hbm4b:s22+s2] =	stream.indirect_vreg.scatter [tilespmem:s3], [sflag:$0x1], $0x80, v3, vm0, $0xb8;
	[tilespmem:$0x1C100] =	vst v63  }
0x28e: {  	s1 =	simm.s32 $0xB100  }
0x28f: {  	[hbm4b:s23+s2] =	stream.indirect_vreg.scatter [tilespmem:s1], [sflag:$0x1], $0x80, v3, vm0, $0xb8;
	[tilespmem:$0x1C100] =	vst v63  }
0x290: {  	s3 =	simm.s32 $0xB900  }
0x291: {  	[hbm4b:s24+s2] =	stream.indirect_vreg.scatter [tilespmem:s3], [sflag:$0x1], $0x80, v3, vm0, $0xb8;
	[tilespmem:$0x1C100] =	vst v63  }
0x292: {  	v3 =	vld [tilespmem:$0x50];
	_ =	sdelay $0x4  }
0x293: {  	v59 =	vshrl.u32 v3, $0x3  }
0x294: {  	v4 =	vmul.u32 $0xC0, v59  }
0x295: {  	v3 =	vand.u32 $0x7, v3  }
0x296: {  	v3 =	vor.u32 v3, v4  }
0x297: {  	v4 =	vperm.xlane v3, v0;
	_ =	sdelay $0x1  }
0x298: {  	v4 =	vadd.s32 v1, v4;
	_ =	sdelay $0x3  }
0x299: {  	s1 =	simm.s32 $0xC100  }
0x29a: {  	[hbm4b:s4+s2] =	stream.indirect_vreg.scatter [tilespmem:s1], [sflag:$0x1], $0x80, v4, vm0, $0xb8;
	[tilespmem:$0x1C100] =	vst v63  }
0x29b: {  	s1 =	simm.s32 $0xC900  }
0x29c: {  	[hbm4b:s14+s2] =	stream.indirect_vreg.scatter [tilespmem:s1], [sflag:$0x1], $0x80, v4, vm0, $0xb8;
	[tilespmem:$0x1C100] =	vst v63  }
0x29d: {  	s1 =	simm.s32 $0xD100  }
0x29e: {  	[hbm4b:s15+s2] =	stream.indirect_vreg.scatter [tilespmem:s1], [sflag:$0x1], $0x80, v4, vm0, $0xb8;
	[tilespmem:$0x1C100] =	vst v63  }
0x29f: {  	s1 =	simm.s32 $0xD900  }
0x2a0: {  	[hbm4b:s16+s2] =	stream.indirect_vreg.scatter [tilespmem:s1], [sflag:$0x1], $0x80, v4, vm0, $0xb8;
	[tilespmem:$0x1C100] =	vst v63  }
0x2a1: {  	s1 =	simm.s32 $0xE100  }
0x2a2: {  	[hbm4b:s17+s2] =	stream.indirect_vreg.scatter [tilespmem:s1], [sflag:$0x1], $0x80, v4, vm0, $0xb8;
	[tilespmem:$0x1C100] =	vst v63  }
0x2a3: {  	s1 =	simm.s32 $0xE900  }
0x2a4: {  	[hbm4b:s18+s2] =	stream.indirect_vreg.scatter [tilespmem:s1], [sflag:$0x1], $0x80, v4, vm0, $0xb8;
	[tilespmem:$0x1C100] =	vst v63  }
0x2a5: {  	s1 =	simm.s32 $0xF100  }
0x2a6: {  	[hbm4b:s19+s2] =	stream.indirect_vreg.scatter [tilespmem:s1], [sflag:$0x1], $0x80, v4, vm0, $0xb8;
	[tilespmem:$0x1C100] =	vst v63  }
0x2a7: {  	s1 =	simm.s32 $0xF900  }
0x2a8: {  	[hbm4b:s20+s2] =	stream.indirect_vreg.scatter [tilespmem:s1], [sflag:$0x1], $0x80, v4, vm0, $0xb8;
	[tilespmem:$0x1C100] =	vst v63  }
0x2a9: {  	s1 =	simm.s32 $0x10100  }
0x2aa: {  	[hbm4b:s21+s2] =	stream.indirect_vreg.scatter [tilespmem:s1], [sflag:$0x1], $0x80, v4, vm0, $0xb8;
	[tilespmem:$0x1C100] =	vst v63  }
0x2ab: {  	v3 =	vperm.xlane v3, v2;
	s1 =	simm.s32 $0x10900  }
0x2ac: {  	[hbm4b:s22+s2] =	stream.indirect_vreg.scatter [tilespmem:s1], [sflag:$0x1], $0x80, v4, vm0, $0xb8;
	[tilespmem:$0x1C100] =	vst v63  }
0x2ad: {  	v3 =	vadd.s32 v1, v3;
	s1 =	simm.s32 $0x11100  }
0x2ae: {  	[hbm4b:s23+s2] =	stream.indirect_vreg.scatter [tilespmem:s1], [sflag:$0x1], $0x80, v4, vm0, $0xb8;
	[tilespmem:$0x1C100] =	vst v63  }
0x2af: {  	s1 =	simm.s32 $0x11900  }
0x2b0: {  	[hbm4b:s24+s2] =	stream.indirect_vreg.scatter [tilespmem:s1], [sflag:$0x1], $0x80, v4, vm0, $0xb8;
	[tilespmem:$0x1C100] =	vst v63  }
0x2b1: {  	s1 =	simm.s32 $0x12100  }
0x2b2: {  	[hbm4b:s4+s2] =	stream.indirect_vreg.scatter [tilespmem:s1], [sflag:$0x1], $0x80, v3, vm0, $0xb8;
	[tilespmem:$0x1C100] =	vst v63  }
0x2b3: {  	s1 =	simm.s32 $0x12900  }
0x2b4: {  	[hbm4b:s14+s2] =	stream.indirect_vreg.scatter [tilespmem:s1], [sflag:$0x1], $0x80, v3, vm0, $0xb8;
	[tilespmem:$0x1C100] =	vst v63  }
0x2b5: {  	s1 =	simm.s32 $0x13100  }
0x2b6: {  	[hbm4b:s15+s2] =	stream.indirect_vreg.scatter [tilespmem:s1], [sflag:$0x1], $0x80, v3, vm0, $0xb8;
	[tilespmem:$0x1C100] =	vst v63  }
0x2b7: {  	s1 =	simm.s32 $0x13900  }
0x2b8: {  	[hbm4b:s16+s2] =	stream.indirect_vreg.scatter [tilespmem:s1], [sflag:$0x1], $0x80, v3, vm0, $0xb8;
	[tilespmem:$0x1C100] =	vst v63  }
0x2b9: {  	s1 =	simm.s32 $0x14100  }
0x2ba: {  	[hbm4b:s17+s2] =	stream.indirect_vreg.scatter [tilespmem:s1], [sflag:$0x1], $0x80, v3, vm0, $0xb8;
	[tilespmem:$0x1C100] =	vst v63  }
0x2bb: {  	s1 =	simm.s32 $0x14900  }
0x2bc: {  	[hbm4b:s18+s2] =	stream.indirect_vreg.scatter [tilespmem:s1], [sflag:$0x1], $0x80, v3, vm0, $0xb8;
	[tilespmem:$0x1C100] =	vst v63  }
0x2bd: {  	s1 =	simm.s32 $0x15100  }
0x2be: {  	[hbm4b:s19+s2] =	stream.indirect_vreg.scatter [tilespmem:s1], [sflag:$0x1], $0x80, v3, vm0, $0xb8;
	[tilespmem:$0x1C100] =	vst v63  }
0x2bf: {  	s1 =	simm.s32 $0x15900  }
0x2c0: {  	[hbm4b:s20+s2] =	stream.indirect_vreg.scatter [tilespmem:s1], [sflag:$0x1], $0x80, v3, vm0, $0xb8;
	[tilespmem:$0x1C100] =	vst v63  }
0x2c1: {  	s1 =	simm.s32 $0x16100  }
0x2c2: {  	[hbm4b:s21+s2] =	stream.indirect_vreg.scatter [tilespmem:s1], [sflag:$0x1], $0x80, v3, vm0, $0xb8;
	[tilespmem:$0x1C100] =	vst v63  }
0x2c3: {  	s1 =	simm.s32 $0x16900  }
0x2c4: {  	[hbm4b:s22+s2] =	stream.indirect_vreg.scatter [tilespmem:s1], [sflag:$0x1], $0x80, v3, vm0, $0xb8;
	[tilespmem:$0x1C100] =	vst v63  }
0x2c5: {  	s1 =	simm.s32 $0x17100  }
0x2c6: {  	[hbm4b:s23+s2] =	stream.indirect_vreg.scatter [tilespmem:s1], [sflag:$0x1], $0x80, v3, vm0, $0xb8;
	[tilespmem:$0x1C100] =	vst v63  }
0x2c7: {  	s1 =	simm.s32 $0x17900  }
0x2c8: {  	[hbm4b:s24+s2] =	stream.indirect_vreg.scatter [tilespmem:s1], [sflag:$0x1], $0x80, v3, vm0, $0xb8;
	[tilespmem:$0x1C100] =	vst v63  }
0x2c9: {  	_ =	swait.ge [sflag:s29], $0x18000  }
0x2ca: {  	[sflag:s29] =	ssyncset.done $0x0  }
0x2cb: {  	[sflag:s29] =	ssyncadd.s32 $0xFFFE8000  }
0x2cc: {  	v3 =	vld [tilespmem:$0xE0];
	_ =	sdelay $0x4  }
0x2cd: {  	v60 =	vshrl.u32 v3, $0x3  }
0x2ce: {  	v4 =	vmul.u32 $0xC0, v60  }
0x2cf: {  	v3 =	vand.u32 $0x7, v3  }
0x2d0: {  	v3 =	vor.u32 v3, v4  }
0x2d1: {  	v4 =	vperm.xlane v3, v0;
	_ =	sdelay $0x1  }
0x2d2: {  	v4 =	vadd.s32 v1, v4;
	_ =	sdelay $0x3  }
0x2d3: {  	s1 =	simm.s32 $0x100  }
0x2d4: {  	[tilespmem:s1], [sflag:$0x1] =	stream.indirect_vreg.gather [hbm4b:s31+s2], $0x80, v4, vm0, $0xb8;
	[tilespmem:$0x1C100] =	vst v63  }
0x2d5: {  	s0 =	simm.s32 $0x900  }
0x2d6: {  	[tilespmem:s0], [sflag:$0x1] =	stream.indirect_vreg.gather [hbm4b:s5+s2], $0x80, v4, vm0, $0xb8;
	[tilespmem:$0x1C100] =	vst v63  }
0x2d7: {  	s0 =	simm.s32 $0x1100  }
0x2d8: {  	[tilespmem:s0], [sflag:$0x1] =	stream.indirect_vreg.gather [hbm4b:s6+s2], $0x80, v4, vm0, $0xb8;
	[tilespmem:$0x1C100] =	vst v63  }
0x2d9: {  	s1 =	simm.s32 $0x1900  }
0x2da: {  	[tilespmem:s1], [sflag:$0x1] =	stream.indirect_vreg.gather [hbm4b:s7+s2], $0x80, v4, vm0, $0xb8;
	[tilespmem:$0x1C100] =	vst v63  }
0x2db: {  	s1 =	simm.s32 $0x2100  }
0x2dc: {  	[tilespmem:s1], [sflag:$0x1] =	stream.indirect_vreg.gather [hbm4b:s8+s2], $0x80, v4, vm0, $0xb8;
	[tilespmem:$0x1C100] =	vst v63  }
0x2dd: {  	_ = 	snop  }
0x2de: {  	[tilespmem:s25], [sflag:$0x1] =	stream.indirect_vreg.gather [hbm4b:s9+s2], $0x80, v4, vm0, $0xb8;
	[tilespmem:$0x1C100] =	vst v63  }
0x2df: {  	s25 =	simm.s32 $0x3100  }
0x2e0: {  	[tilespmem:s25], [sflag:$0x1] =	stream.indirect_vreg.gather [hbm4b:s10+s2], $0x80, v4, vm0, $0xb8;
	[tilespmem:$0x1C100] =	vst v63  }
0x2e1: {  	s1 =	simm.s32 $0x3900  }
0x2e2: {  	[tilespmem:s1], [sflag:$0x1] =	stream.indirect_vreg.gather [hbm4b:s11+s2], $0x80, v4, vm0, $0xb8;
	[tilespmem:$0x1C100] =	vst v63  }
0x2e3: {  	s25 =	simm.s32 $0x4100  }
0x2e4: {  	[tilespmem:s25], [sflag:$0x1] =	stream.indirect_vreg.gather [hbm4b:s12+s2], $0x80, v4, vm0, $0xb8;
	[tilespmem:$0x1C100] =	vst v63  }
0x2e5: {  	v3 =	vperm.xlane v3, v2;
	s1 =	simm.s32 $0x4900  }
0x2e6: {  	[tilespmem:s1], [sflag:$0x1] =	stream.indirect_vreg.gather [hbm4b:s13+s2], $0x80, v4, vm0, $0xb8;
	[tilespmem:$0x1C100] =	vst v63  }
0x2e7: {  	v3 =	vadd.s32 v1, v3;
	s25 =	simm.s32 $0x5100  }
0x2e8: {  	[tilespmem:s25], [sflag:$0x1] =	stream.indirect_vreg.gather [hbm4b:s26+s2], $0x80, v4, vm0, $0xb8;
	[tilespmem:$0x1C100] =	vst v63  }
0x2e9: {  	_ = 	snop  }
0x2ea: {  	[tilespmem:s30], [sflag:$0x1] =	stream.indirect_vreg.gather [hbm4b:s28+s2], $0x80, v4, vm0, $0xb8;
	[tilespmem:$0x1C100] =	vst v63  }
0x2eb: {  	s1 =	simm.s32 $0x6100  }
0x2ec: {  	[tilespmem:s1], [sflag:$0x1] =	stream.indirect_vreg.gather [hbm4b:s31+s2], $0x80, v3, vm0, $0xb8;
	[tilespmem:$0x1C100] =	vst v63  }
0x2ed: {  	s25 =	simm.s32 $0x6900  }
0x2ee: {  	[tilespmem:s25], [sflag:$0x1] =	stream.indirect_vreg.gather [hbm4b:s5+s2], $0x80, v3, vm0, $0xb8;
	[tilespmem:$0x1C100] =	vst v63  }
0x2ef: {  	s30 =	simm.s32 $0x7100  }
0x2f0: {  	[tilespmem:s30], [sflag:$0x1] =	stream.indirect_vreg.gather [hbm4b:s6+s2], $0x80, v3, vm0, $0xb8;
	[tilespmem:$0x1C100] =	vst v63  }
0x2f1: {  	s1 =	simm.s32 $0x7900  }
0x2f2: {  	[tilespmem:s1], [sflag:$0x1] =	stream.indirect_vreg.gather [hbm4b:s7+s2], $0x80, v3, vm0, $0xb8;
	[tilespmem:$0x1C100] =	vst v63  }
0x2f3: {  	s25 =	simm.s32 $0x8100  }
0x2f4: {  	[tilespmem:s25], [sflag:$0x1] =	stream.indirect_vreg.gather [hbm4b:s8+s2], $0x80, v3, vm0, $0xb8;
	[tilespmem:$0x1C100] =	vst v63  }
0x2f5: {  	s30 =	simm.s32 $0x8900  }
0x2f6: {  	[tilespmem:s30], [sflag:$0x1] =	stream.indirect_vreg.gather [hbm4b:s9+s2], $0x80, v3, vm0, $0xb8;
	[tilespmem:$0x1C100] =	vst v63  }
0x2f7: {  	s1 =	simm.s32 $0x9100  }
0x2f8: {  	[tilespmem:s1], [sflag:$0x1] =	stream.indirect_vreg.gather [hbm4b:s10+s2], $0x80, v3, vm0, $0xb8;
	[tilespmem:$0x1C100] =	vst v63  }
0x2f9: {  	s25 =	simm.s32 $0x9900  }
0x2fa: {  	[tilespmem:s25], [sflag:$0x1] =	stream.indirect_vreg.gather [hbm4b:s11+s2], $0x80, v3, vm0, $0xb8;
	[tilespmem:$0x1C100] =	vst v63  }
0x2fb: {  	s30 =	simm.s32 $0xA100  }
0x2fc: {  	[tilespmem:s30], [sflag:$0x1] =	stream.indirect_vreg.gather [hbm4b:s12+s2], $0x80, v3, vm0, $0xb8;
	[tilespmem:$0x1C100] =	vst v63  }
0x2fd: {  	s1 =	simm.s32 $0xA900  }
0x2fe: {  	[tilespmem:s1], [sflag:$0x1] =	stream.indirect_vreg.gather [hbm4b:s13+s2], $0x80, v3, vm0, $0xb8;
	[tilespmem:$0x1C100] =	vst v63  }
0x2ff: {  	s25 =	simm.s32 $0xB100  }
0x300: {  	[tilespmem:s25], [sflag:$0x1] =	stream.indirect_vreg.gather [hbm4b:s26+s2], $0x80, v3, vm0, $0xb8;
	[tilespmem:$0x1C100] =	vst v63  }
0x301: {  	s3 =	simm.s32 $0xB900  }
0x302: {  	[tilespmem:s3], [sflag:$0x1] =	stream.indirect_vreg.gather [hbm4b:s28+s2], $0x80, v3, vm0, $0xb8;
	[tilespmem:$0x1C100] =	vst v63  }
0x303: {  	v3 =	vld [tilespmem:$0xF0];
	_ =	sdelay $0x4  }
0x304: {  	v61 =	vshrl.u32 v3, $0x3  }
0x305: {  	v4 =	vmul.u32 $0xC0, v61  }
0x306: {  	v3 =	vand.u32 $0x7, v3  }
0x307: {  	v3 =	vor.u32 v3, v4  }
0x308: {  	v4 =	vperm.xlane v3, v0;
	_ =	sdelay $0x1  }
0x309: {  	v4 =	vadd.s32 v1, v4;
	_ =	sdelay $0x3  }
0x30a: {  	s30 =	simm.s32 $0xC100  }
0x30b: {  	[tilespmem:s30], [sflag:$0x1] =	stream.indirect_vreg.gather [hbm4b:s31+s2], $0x80, v4, vm0, $0xb8;
	[tilespmem:$0x1C100] =	vst v63  }
0x30c: {  	s1 =	simm.s32 $0xC900  }
0x30d: {  	[tilespmem:s1], [sflag:$0x1] =	stream.indirect_vreg.gather [hbm4b:s5+s2], $0x80, v4, vm0, $0xb8;
	[tilespmem:$0x1C100] =	vst v63  }
0x30e: {  	s3 =	simm.s32 $0xD100  }
0x30f: {  	[tilespmem:s3], [sflag:$0x1] =	stream.indirect_vreg.gather [hbm4b:s6+s2], $0x80, v4, vm0, $0xb8;
	[tilespmem:$0x1C100] =	vst v63  }
0x310: {  	s25 =	simm.s32 $0xD900  }
0x311: {  	[tilespmem:s25], [sflag:$0x1] =	stream.indirect_vreg.gather [hbm4b:s7+s2], $0x80, v4, vm0, $0xb8;
	[tilespmem:$0x1C100] =	vst v63  }
0x312: {  	s30 =	simm.s32 $0xE100  }
0x313: {  	[tilespmem:s30], [sflag:$0x1] =	stream.indirect_vreg.gather [hbm4b:s8+s2], $0x80, v4, vm0, $0xb8;
	[tilespmem:$0x1C100] =	vst v63  }
0x314: {  	s1 =	simm.s32 $0xE900  }
0x315: {  	[tilespmem:s1], [sflag:$0x1] =	stream.indirect_vreg.gather [hbm4b:s9+s2], $0x80, v4, vm0, $0xb8;
	[tilespmem:$0x1C100] =	vst v63  }
0x316: {  	s3 =	simm.s32 $0xF100  }
0x317: {  	[tilespmem:s3], [sflag:$0x1] =	stream.indirect_vreg.gather [hbm4b:s10+s2], $0x80, v4, vm0, $0xb8;
	[tilespmem:$0x1C100] =	vst v63  }
0x318: {  	s25 =	simm.s32 $0xF900  }
0x319: {  	[tilespmem:s25], [sflag:$0x1] =	stream.indirect_vreg.gather [hbm4b:s11+s2], $0x80, v4, vm0, $0xb8;
	[tilespmem:$0x1C100] =	vst v63  }
0x31a: {  	s30 =	simm.s32 $0x10100  }
0x31b: {  	[tilespmem:s30], [sflag:$0x1] =	stream.indirect_vreg.gather [hbm4b:s12+s2], $0x80, v4, vm0, $0xb8;
	[tilespmem:$0x1C100] =	vst v63  }
0x31c: {  	v3 =	vperm.xlane v3, v2;
	s1 =	simm.s32 $0x10900  }
0x31d: {  	[tilespmem:s1], [sflag:$0x1] =	stream.indirect_vreg.gather [hbm4b:s13+s2], $0x80, v4, vm0, $0xb8;
	[tilespmem:$0x1C100] =	vst v63  }
0x31e: {  	v3 =	vadd.s32 v1, v3;
	s3 =	simm.s32 $0x11100  }
0x31f: {  	[tilespmem:s3], [sflag:$0x1] =	stream.indirect_vreg.gather [hbm4b:s26+s2], $0x80, v4, vm0, $0xb8;
	[tilespmem:$0x1C100] =	vst v63  }
0x320: {  	s25 =	simm.s32 $0x11900  }
0x321: {  	[tilespmem:s25], [sflag:$0x1] =	stream.indirect_vreg.gather [hbm4b:s28+s2], $0x80, v4, vm0, $0xb8;
	[tilespmem:$0x1C100] =	vst v63  }
0x322: {  	s30 =	simm.s32 $0x12100  }
0x323: {  	[tilespmem:s30], [sflag:$0x1] =	stream.indirect_vreg.gather [hbm4b:s31+s2], $0x80, v3, vm0, $0xb8;
	[tilespmem:$0x1C100] =	vst v63  }
0x324: {  	s3 =	simm.s32 $0x12900  }
0x325: {  	[tilespmem:s3], [sflag:$0x1] =	stream.indirect_vreg.gather [hbm4b:s5+s2], $0x80, v3, vm0, $0xb8;
	[tilespmem:$0x1C100] =	vst v63  }
0x326: {  	s31 =	simm.s32 $0x13100  }
0x327: {  	[tilespmem:s31], [sflag:$0x1] =	stream.indirect_vreg.gather [hbm4b:s6+s2], $0x80, v3, vm0, $0xb8;
	[tilespmem:$0x1C100] =	vst v63  }
0x328: {  	s1 =	simm.s32 $0x13900  }
0x329: {  	[tilespmem:s1], [sflag:$0x1] =	stream.indirect_vreg.gather [hbm4b:s7+s2], $0x80, v3, vm0, $0xb8;
	[tilespmem:$0x1C100] =	vst v63  }
0x32a: {  	s25 =	simm.s32 $0x14100  }
0x32b: {  	[tilespmem:s25], [sflag:$0x1] =	stream.indirect_vreg.gather [hbm4b:s8+s2], $0x80, v3, vm0, $0xb8;
	[tilespmem:$0x1C100] =	vst v63  }
0x32c: {  	s1 =	simm.s32 $0x14900  }
0x32d: {  	[tilespmem:s1], [sflag:$0x1] =	stream.indirect_vreg.gather [hbm4b:s9+s2], $0x80, v3, vm0, $0xb8;
	[tilespmem:$0x1C100] =	vst v63  }
0x32e: {  	s30 =	simm.s32 $0x15100  }
0x32f: {  	[tilespmem:s30], [sflag:$0x1] =	stream.indirect_vreg.gather [hbm4b:s10+s2], $0x80, v3, vm0, $0xb8;
	[tilespmem:$0x1C100] =	vst v63  }
0x330: {  	s31 =	simm.s32 $0x15900  }
0x331: {  	[tilespmem:s31], [sflag:$0x1] =	stream.indirect_vreg.gather [hbm4b:s11+s2], $0x80, v3, vm0, $0xb8;
	[tilespmem:$0x1C100] =	vst v63  }
0x332: {  	s30 =	simm.s32 $0x16100  }
0x333: {  	[tilespmem:s30], [sflag:$0x1] =	stream.indirect_vreg.gather [hbm4b:s12+s2], $0x80, v3, vm0, $0xb8;
	[tilespmem:$0x1C100] =	vst v63  }
0x334: {  	s31 =	simm.s32 $0x16900  }
0x335: {  	[tilespmem:s31], [sflag:$0x1] =	stream.indirect_vreg.gather [hbm4b:s13+s2], $0x80, v3, vm0, $0xb8;
	[tilespmem:$0x1C100] =	vst v63  }
0x336: {  	s30 =	simm.s32 $0x17100  }
0x337: {  	[tilespmem:s30], [sflag:$0x1] =	stream.indirect_vreg.gather [hbm4b:s26+s2], $0x80, v3, vm0, $0xb8;
	[tilespmem:$0x1C100] =	vst v63  }
0x338: {  	s30 =	simm.s32 $0x17900  }
0x339: {  	[tilespmem:s30], [sflag:$0x1] =	stream.indirect_vreg.gather [hbm4b:s28+s2], $0x80, v3, vm0, $0xb8;
	[tilespmem:$0x1C100] =	vst v63  }
0x33a: {  	_ =	swait.ge [sflag:s29], $0x18000  }
0x33b: {  	[sflag:s29] =	ssyncset.done $0x0  }
0x33c: {  	[sflag:s29] =	ssyncadd.s32 $0xFFFE8000  }
0x33d: {  	v3 =	vld [tilespmem:$0x60];
	_ =	sdelay $0x4  }
0x33e: {  	v62 =	vshrl.u32 v3, $0x3  }
0x33f: {  	v4 =	vmul.u32 $0xC0, v62  }
0x340: {  	v3 =	vand.u32 $0x7, v3  }
0x341: {  	v3 =	vor.u32 v3, v4  }
0x342: {  	v4 =	vperm.xlane v3, v0;
	_ =	sdelay $0x1  }
0x343: {  	v4 =	vadd.s32 v1, v4;
	_ =	sdelay $0x3  }
0x344: {  	s30 =	simm.s32 $0x100  }
0x345: {  	[hbm4b:s4+s2] =	stream.indirect_vreg.scatter [tilespmem:s30], [sflag:$0x1], $0x80, v4, vm0, $0xb8;
	[tilespmem:$0x1C100] =	vst v63  }
0x346: {  	s30 =	simm.s32 $0x900  }
0x347: {  	[hbm4b:s14+s2] =	stream.indirect_vreg.scatter [tilespmem:s30], [sflag:$0x1], $0x80, v4, vm0, $0xb8;
	[tilespmem:$0x1C100] =	vst v63  }
0x348: {  	s30 =	simm.s32 $0x1100  }
0x349: {  	[hbm4b:s15+s2] =	stream.indirect_vreg.scatter [tilespmem:s30], [sflag:$0x1], $0x80, v4, vm0, $0xb8;
	[tilespmem:$0x1C100] =	vst v63  }
0x34a: {  	s30 =	simm.s32 $0x1900  }
0x34b: {  	[hbm4b:s16+s2] =	stream.indirect_vreg.scatter [tilespmem:s30], [sflag:$0x1], $0x80, v4, vm0, $0xb8;
	[tilespmem:$0x1C100] =	vst v63  }
0x34c: {  	s30 =	simm.s32 $0x2100  }
0x34d: {  	[hbm4b:s17+s2] =	stream.indirect_vreg.scatter [tilespmem:s30], [sflag:$0x1], $0x80, v4, vm0, $0xb8;
	[tilespmem:$0x1C100] =	vst v63  }
0x34e: {  	s30 =	simm.s32 $0x2900  }
0x34f: {  	[hbm4b:s18+s2] =	stream.indirect_vreg.scatter [tilespmem:s30], [sflag:$0x1], $0x80, v4, vm0, $0xb8;
	[tilespmem:$0x1C100] =	vst v63  }
0x350: {  	s30 =	simm.s32 $0x3100  }
0x351: {  	[hbm4b:s19+s2] =	stream.indirect_vreg.scatter [tilespmem:s30], [sflag:$0x1], $0x80, v4, vm0, $0xb8;
	[tilespmem:$0x1C100] =	vst v63  }
0x352: {  	s30 =	simm.s32 $0x3900  }
0x353: {  	[hbm4b:s20+s2] =	stream.indirect_vreg.scatter [tilespmem:s30], [sflag:$0x1], $0x80, v4, vm0, $0xb8;
	[tilespmem:$0x1C100] =	vst v63  }
0x354: {  	s30 =	simm.s32 $0x4100  }
0x355: {  	[hbm4b:s21+s2] =	stream.indirect_vreg.scatter [tilespmem:s30], [sflag:$0x1], $0x80, v4, vm0, $0xb8;
	[tilespmem:$0x1C100] =	vst v63  }
0x356: {  	v3 =	vperm.xlane v3, v2;
	s30 =	simm.s32 $0x4900  }
0x357: {  	[hbm4b:s22+s2] =	stream.indirect_vreg.scatter [tilespmem:s30], [sflag:$0x1], $0x80, v4, vm0, $0xb8;
	[tilespmem:$0x1C100] =	vst v63  }
0x358: {  	v3 =	vadd.s32 v1, v3;
	s30 =	simm.s32 $0x5100  }
0x359: {  	[hbm4b:s23+s2] =	stream.indirect_vreg.scatter [tilespmem:s30], [sflag:$0x1], $0x80, v4, vm0, $0xb8;
	[tilespmem:$0x1C100] =	vst v63  }
0x35a: {  	s30 =	simm.s32 $0x5900  }
0x35b: {  	[hbm4b:s24+s2] =	stream.indirect_vreg.scatter [tilespmem:s30], [sflag:$0x1], $0x80, v4, vm0, $0xb8;
	[tilespmem:$0x1C100] =	vst v63  }
0x35c: {  	s30 =	simm.s32 $0x6100  }
0x35d: {  	[hbm4b:s4+s2] =	stream.indirect_vreg.scatter [tilespmem:s30], [sflag:$0x1], $0x80, v3, vm0, $0xb8;
	[tilespmem:$0x1C100] =	vst v63  }
0x35e: {  	s30 =	simm.s32 $0x6900  }
0x35f: {  	[hbm4b:s14+s2] =	stream.indirect_vreg.scatter [tilespmem:s30], [sflag:$0x1], $0x80, v3, vm0, $0xb8;
	[tilespmem:$0x1C100] =	vst v63  }
0x360: {  	s30 =	simm.s32 $0x7100  }
0x361: {  	[hbm4b:s15+s2] =	stream.indirect_vreg.scatter [tilespmem:s30], [sflag:$0x1], $0x80, v3, vm0, $0xb8;
	[tilespmem:$0x1C100] =	vst v63  }
0x362: {  	s30 =	simm.s32 $0x7900  }
0x363: {  	[hbm4b:s16+s2] =	stream.indirect_vreg.scatter [tilespmem:s30], [sflag:$0x1], $0x80, v3, vm0, $0xb8;
	[tilespmem:$0x1C100] =	vst v63  }
0x364: {  	s30 =	simm.s32 $0x8100  }
0x365: {  	[hbm4b:s17+s2] =	stream.indirect_vreg.scatter [tilespmem:s30], [sflag:$0x1], $0x80, v3, vm0, $0xb8;
	[tilespmem:$0x1C100] =	vst v63  }
0x366: {  	s30 =	simm.s32 $0x8900  }
0x367: {  	[hbm4b:s18+s2] =	stream.indirect_vreg.scatter [tilespmem:s30], [sflag:$0x1], $0x80, v3, vm0, $0xb8;
	[tilespmem:$0x1C100] =	vst v63  }
0x368: {  	s30 =	simm.s32 $0x9100  }
0x369: {  	[hbm4b:s19+s2] =	stream.indirect_vreg.scatter [tilespmem:s30], [sflag:$0x1], $0x80, v3, vm0, $0xb8;
	[tilespmem:$0x1C100] =	vst v63  }
0x36a: {  	s30 =	simm.s32 $0x9900  }
0x36b: {  	[hbm4b:s20+s2] =	stream.indirect_vreg.scatter [tilespmem:s30], [sflag:$0x1], $0x80, v3, vm0, $0xb8;
	[tilespmem:$0x1C100] =	vst v63  }
0x36c: {  	s30 =	simm.s32 $0xA100  }
0x36d: {  	[hbm4b:s21+s2] =	stream.indirect_vreg.scatter [tilespmem:s30], [sflag:$0x1], $0x80, v3, vm0, $0xb8;
	[tilespmem:$0x1C100] =	vst v63  }
0x36e: {  	s30 =	simm.s32 $0xA900  }
0x36f: {  	[hbm4b:s22+s2] =	stream.indirect_vreg.scatter [tilespmem:s30], [sflag:$0x1], $0x80, v3, vm0, $0xb8;
	[tilespmem:$0x1C100] =	vst v63  }
0x370: {  	s30 =	simm.s32 $0xB100  }
0x371: {  	[hbm4b:s23+s2] =	stream.indirect_vreg.scatter [tilespmem:s30], [sflag:$0x1], $0x80, v3, vm0, $0xb8;
	[tilespmem:$0x1C100] =	vst v63  }
0x372: {  	s30 =	simm.s32 $0xB900  }
0x373: {  	[hbm4b:s24+s2] =	stream.indirect_vreg.scatter [tilespmem:s30], [sflag:$0x1], $0x80, v3, vm0, $0xb8;
	[tilespmem:$0x1C100] =	vst v63  }
0x374: {  	v3 =	vld [tilespmem:$0x70];
	_ =	sdelay $0x4  }
0x375: {  	v63 =	vshrl.u32 v3, $0x3  }
0x376: {  	v4 =	vmul.u32 $0xC0, v63  }
0x377: {  	v3 =	vand.u32 $0x7, v3  }
0x378: {  	v3 =	vor.u32 v3, v4  }
0x379: {  	v4 =	vperm.xlane v3, v0;
	_ =	sdelay $0x1  }
0x37a: {  	v4 =	vadd.s32 v1, v4;
	_ =	sdelay $0x3  }
0x37b: {  	s30 =	simm.s32 $0xC100  }
0x37c: {  	[hbm4b:s4+s2] =	stream.indirect_vreg.scatter [tilespmem:s30], [sflag:$0x1], $0x80, v4, vm0, $0xb8;
	[tilespmem:$0x1C100] =	vst v63  }
0x37d: {  	s30 =	simm.s32 $0xC900  }
0x37e: {  	[hbm4b:s14+s2] =	stream.indirect_vreg.scatter [tilespmem:s30], [sflag:$0x1], $0x80, v4, vm0, $0xb8;
	[tilespmem:$0x1C100] =	vst v63  }
0x37f: {  	s30 =	simm.s32 $0xD100  }
0x380: {  	[hbm4b:s15+s2] =	stream.indirect_vreg.scatter [tilespmem:s30], [sflag:$0x1], $0x80, v4, vm0, $0xb8;
	[tilespmem:$0x1C100] =	vst v63  }
0x381: {  	s30 =	simm.s32 $0xD900  }
0x382: {  	[hbm4b:s16+s2] =	stream.indirect_vreg.scatter [tilespmem:s30], [sflag:$0x1], $0x80, v4, vm0, $0xb8;
	[tilespmem:$0x1C100] =	vst v63  }
0x383: {  	s30 =	simm.s32 $0xE100  }
0x384: {  	[hbm4b:s17+s2] =	stream.indirect_vreg.scatter [tilespmem:s30], [sflag:$0x1], $0x80, v4, vm0, $0xb8;
	[tilespmem:$0x1C100] =	vst v63  }
0x385: {  	s30 =	simm.s32 $0xE900  }
0x386: {  	[hbm4b:s18+s2] =	stream.indirect_vreg.scatter [tilespmem:s30], [sflag:$0x1], $0x80, v4, vm0, $0xb8;
	[tilespmem:$0x1C100] =	vst v63  }
0x387: {  	s30 =	simm.s32 $0xF100  }
0x388: {  	[hbm4b:s19+s2] =	stream.indirect_vreg.scatter [tilespmem:s30], [sflag:$0x1], $0x80, v4, vm0, $0xb8;
	[tilespmem:$0x1C100] =	vst v63  }
0x389: {  	s30 =	simm.s32 $0xF900  }
0x38a: {  	[hbm4b:s20+s2] =	stream.indirect_vreg.scatter [tilespmem:s30], [sflag:$0x1], $0x80, v4, vm0, $0xb8;
	[tilespmem:$0x1C100] =	vst v63  }
0x38b: {  	s30 =	simm.s32 $0x10100  }
0x38c: {  	[hbm4b:s21+s2] =	stream.indirect_vreg.scatter [tilespmem:s30], [sflag:$0x1], $0x80, v4, vm0, $0xb8;
	[tilespmem:$0x1C100] =	vst v63  }
0x38d: {  	v3 =	vperm.xlane v3, v2;
	s30 =	simm.s32 $0x10900  }
0x38e: {  	[hbm4b:s22+s2] =	stream.indirect_vreg.scatter [tilespmem:s30], [sflag:$0x1], $0x80, v4, vm0, $0xb8;
	[tilespmem:$0x1C100] =	vst v63  }
0x38f: {  	v3 =	vadd.s32 v1, v3;
	s30 =	simm.s32 $0x11100  }
0x390: {  	[hbm4b:s23+s2] =	stream.indirect_vreg.scatter [tilespmem:s30], [sflag:$0x1], $0x80, v4, vm0, $0xb8;
	[tilespmem:$0x1C100] =	vst v63  }
0x391: {  	s30 =	simm.s32 $0x11900  }
0x392: {  	[hbm4b:s24+s2] =	stream.indirect_vreg.scatter [tilespmem:s30], [sflag:$0x1], $0x80, v4, vm0, $0xb8;
	[tilespmem:$0x1C100] =	vst v63  }
0x393: {  	s30 =	simm.s32 $0x12100  }
0x394: {  	[hbm4b:s4+s2] =	stream.indirect_vreg.scatter [tilespmem:s30], [sflag:$0x1], $0x80, v3, vm0, $0xb8;
	[tilespmem:$0x1C100] =	vst v63  }
0x395: {  	_ = 	snop  }
0x396: {  	[hbm4b:s14+s2] =	stream.indirect_vreg.scatter [tilespmem:s3], [sflag:$0x1], $0x80, v3, vm0, $0xb8;
	[tilespmem:$0x1C100] =	vst v63  }
0x397: {  	s30 =	simm.s32 $0x13100  }
0x398: {  	[hbm4b:s15+s2] =	stream.indirect_vreg.scatter [tilespmem:s30], [sflag:$0x1], $0x80, v3, vm0, $0xb8;
	[tilespmem:$0x1C100] =	vst v63  }
0x399: {  	s30 =	simm.s32 $0x13900  }
0x39a: {  	[hbm4b:s16+s2] =	stream.indirect_vreg.scatter [tilespmem:s30], [sflag:$0x1], $0x80, v3, vm0, $0xb8;
	[tilespmem:$0x1C100] =	vst v63  }
0x39b: {  	s30 =	simm.s32 $0x14100  }
0x39c: {  	[hbm4b:s17+s2] =	stream.indirect_vreg.scatter [tilespmem:s30], [sflag:$0x1], $0x80, v3, vm0, $0xb8;
	[tilespmem:$0x1C100] =	vst v63  }
0x39d: {  	_ = 	snop  }
0x39e: {  	[hbm4b:s18+s2] =	stream.indirect_vreg.scatter [tilespmem:s1], [sflag:$0x1], $0x80, v3, vm0, $0xb8;
	[tilespmem:$0x1C100] =	vst v63  }
0x39f: {  	s25 =	simm.s32 $0x15100  }
0x3a0: {  	[hbm4b:s19+s2] =	stream.indirect_vreg.scatter [tilespmem:s25], [sflag:$0x1], $0x80, v3, vm0, $0xb8;
	[tilespmem:$0x1C100] =	vst v63  }
0x3a1: {  	s3 =	simm.s32 $0x15900  }
0x3a2: {  	[hbm4b:s20+s2] =	stream.indirect_vreg.scatter [tilespmem:s3], [sflag:$0x1], $0x80, v3, vm0, $0xb8;
	[tilespmem:$0x1C100] =	vst v63  }
0x3a3: {  	s25 =	simm.s32 $0x16100  }
0x3a4: {  	[hbm4b:s21+s2] =	stream.indirect_vreg.scatter [tilespmem:s25], [sflag:$0x1], $0x80, v3, vm0, $0xb8;
	[tilespmem:$0x1C100] =	vst v63  }
0x3a5: {  	s31 =	simm.s32 $0x16900;
	s0 =	rddreg [dreg:$0x9]  }
0x3a6: {  	[hbm4b:s22+s2] =	stream.indirect_vreg.scatter [tilespmem:s31], [sflag:$0x1], $0x80, v3, vm0, $0xb8;
	[tilespmem:$0x1C100] =	vst v63  }
0x3a7: {  	p0 =	sne.s32 s0, $0x1;
	s30 =	simm.s32 $0x17100  }
0x3a8: {  	[hbm4b:s23+s2] =	stream.indirect_vreg.scatter [tilespmem:s30], [sflag:$0x1], $0x80, v3, vm0, $0xb8;
	[tilespmem:$0x1C100] =	vst v63  }
.Ltmp0:
0x3a9: {  	s31 =	simm.s32 $0x17900;
	(pc) =	sbr.rel @p0 .LBB2_1-.Ltmp0, $4  }
0x3aa: {  	[hbm4b:s24+s2] =	stream.indirect_vreg.scatter [tilespmem:s31], [sflag:$0x1], $0x80, v3, vm0, $0xb8;
	[tilespmem:$0x1C100] =	vst v63  }
0x3ab: {  	_ =	swait.ge [sflag:s29], $0x18000  }
0x3ac: {  	[sflag:s29] =	ssyncset.done $0x0  }
0x3ad: {  	s0 =	sadd.s32 $0xFFFFFFFF, s0;
	[sflag:s29] =	ssyncadd.s32 $0xFFFE8000  }
0x3ae: {  	_ =	sfence.sel $0x180000  }
0x3af: {  	[bflag:$0x0] =	sbarrier.arrive $0xFFFF  }
0x3b0: {  	_ =	strace $0x90000047  }
0x3b1: {  	s0 =	stileid.u32;
	[bflag:$0x2] =	sbarrier.arrive $0xFFFF  }
0x3b2: {  	p0 =	sne.s32 s0, $0x0;
	s0 =	rddreg [dreg:$0x4]  }
0x3b3: {  	s0 =	sadd.s32 @!p0 $0x100000, s0  }
0x3b4: {  	[sflag:s0] =	ssyncadd.tile.s32 @!p0 $0x1;
	_ =	shalt  }
.Lfunc_end2:
_tile_overlayer_lowered:
.L_overlay_start_2:
0x3b5: {  	(tag) =	ssettag $0x2  }
0x3b6: {  	s0 =	rddreg [dreg:$0x0];
	s2 =	stileid.u32  }
0x3b7: {  	s1 =	rddreg [dreg:$0x1];
	p0 =	sne.s32 s2, $0x0  }
0x3b8: {  	s3 =	rddreg [dreg:$0x2];
	[bflag:$0x3] =	sbarrier.arrive $0xFFFF;
	s2 =	simm.s32 @!p0 $0x1C01  }
0x3b9: {  	[timem:s3], [sflag:s2] =	dma.local @!p0 [hbm:s0], s1  }
0x3ba: {  	s0 =	simm.s32 @!p0 $0x1  }
0x3bb: {  	_ =	swait.ge @!p0 [sflag:s0], s1  }
0x3bc: {  	s1 =	ssub.s32 @!p0 $0x0, s1;
	[sflag:s0] =	ssyncset.done @!p0 $0x0  }
0x3bd: {  	[sflag:s0] =	ssyncadd.s32 @!p0 s1  }
0x3be: {  	[bflag:$0x3] =	sbarrier.arrive $0xFFFF  }
0x3bf: {  	_ =	shalt  }

</sc_bundles>
